<compile_context>
chip_gen: v7x
topology: tpu7x:2x2x1
jax: 0.10.2.dev20260603
libtpu: 0.0.44.dev20260713+nightly
codegen_flags: <defaults>
</compile_context>

<pallas_src>
import functools

import jax
import jax.numpy as jnp
from jax import lax
from jax.experimental import pallas as pl
from jax.experimental.pallas import tpu as pltpu
from jax.experimental.pallas import tpu_sc as plsc

N = 10000
E = 320000
D = 128

NC = 2
NS = 16
NW = NC * NS

EDGES_PER_TILE = E // NW
CHUNK = 80
NCHUNK = EDGES_PER_TILE // CHUNK
EPT_PAD = NCHUNK * CHUNK
SLAB = 80
NSLAB = N // SLAB
SLAB_ITERS = -(-NSLAB // NS)
N_ACC = N

_sc_mesh = plsc.VectorSubcoreMesh(core_axis_name="c", subcore_axis_name="s")


@functools.partial(
    pl.kernel,
    mesh=_sc_mesh,
    out_type=jax.ShapeDtypeStruct((NC * N, D), jnp.float32),
    scratch_types=[
        pltpu.VMEM((EPT_PAD,), jnp.int32),
        pltpu.VMEM((NCHUNK, CHUNK), jnp.int32),
        pltpu.VMEM((CHUNK, D), jnp.float32),
        pltpu.VMEM((CHUNK, D), jnp.float32),
        pltpu.VMEM_SHARED((N_ACC, D), jnp.float32),
        pltpu.SemaphoreType.DMA,
        pltpu.SemaphoreType.DMA,
        pltpu.SemaphoreType.DMA,
        pltpu.SemaphoreType.DMA,
    ],
)
def _sc_segment_sum(h_hbm, src_hbm, dst_hbm, parts_hbm,
                    src_v, dst_v, rows0_v, rows1_v, agg_sh,
                    sem0, sem1, sem2, sem3):
    cid = lax.axis_index("c")
    sid = lax.axis_index("s")
    wid = cid * NS + sid
    rows_b = (rows0_v, rows1_v)
    sem_b = (sem0, sem1)

    pltpu.async_copy(src_hbm.at[wid], src_v, sem2)
    pltpu.async_copy(dst_hbm.at[wid], dst_v, sem3)

    stage_v = rows1_v.at[pl.ds(0, SLAB)]

    def zbody(t, carry):
        r = t // (D // 16)
        c = (t % (D // 16)) * 16
        stage_v[r, pl.ds(c, 16)] = jnp.zeros((16,), jnp.float32)
        return carry

    lax.fori_loop(0, SLAB * (D // 16), zbody, 0)

    def start(t, b):
        idx = src_v.at[pl.ds(t * CHUNK, CHUNK)]
        pltpu.async_copy(h_hbm.at[idx], rows_b[b], sem_b[b])

    def finish(t, b):
        idx = src_v.at[pl.ds(t * CHUNK, CHUNK)]
        pltpu.make_async_copy(h_hbm.at[idx], rows_b[b], sem_b[b]).wait()
        pltpu.sync_copy(rows_b[b], agg_sh.at[dst_v.at[t]], add=True)

    pltpu.make_async_copy(src_hbm.at[wid], src_v, sem2).wait()
    start(0, 0)

    for s in range(SLAB_ITERS):
        slab = s * NS + sid

        @pl.when(slab < NSLAB)
        def _():
            pltpu.async_copy(stage_v, agg_sh.at[pl.ds(slab * SLAB, SLAB)], sem1)

    for s in range(SLAB_ITERS):
        slab = s * NS + sid

        @pl.when(slab < NSLAB)
        def _():
            pltpu.make_async_copy(
                stage_v, agg_sh.at[pl.ds(slab * SLAB, SLAB)], sem1).wait()

    pltpu.make_async_copy(dst_hbm.at[wid], dst_v, sem3).wait()
    plsc.subcore_barrier()


    def ebody(g, carry):
        t0 = g * 2
        start(t0 + 1, 1)
        finish(t0, 0)
        start(t0 + 2, 0)
        finish(t0 + 1, 1)
        return carry

    if NCHUNK % 2 == 1:
        lax.fori_loop(0, (NCHUNK - 1) // 2, ebody, 0)
        finish(NCHUNK - 1, 0)
    else:
        lax.fori_loop(0, (NCHUNK - 2) // 2, ebody, 0)
        start(NCHUNK - 1, 1)
        finish(NCHUNK - 2, 0)
        finish(NCHUNK - 1, 1)
    plsc.subcore_barrier()

    sem_in = (sem0, sem1)
    sem_out = (sem2, sem3)

    stage_b = (rows0_v.at[pl.ds(0, SLAB)], rows1_v.at[pl.ds(0, SLAB)])

    def ostart(s):
        slab = s * NS + sid

        @pl.when(slab < NSLAB)
        def _():
            pltpu.async_copy(agg_sh.at[pl.ds(slab * SLAB, SLAB)],
                             stage_b[s % 2], sem_in[s % 2])

    def ofinish(s):
        slab = s * NS + sid

        @pl.when(slab < NSLAB)
        def _():
            row0 = slab * SLAB
            pltpu.make_async_copy(agg_sh.at[pl.ds(row0, SLAB)],
                                  stage_b[s % 2], sem_in[s % 2]).wait()
            pltpu.async_copy(stage_b[s % 2],
                             parts_hbm.at[pl.ds(cid * N + row0, SLAB)],
                             sem_out[s % 2])

    def odrain(s):
        slab = s * NS + sid

        @pl.when(slab < NSLAB)
        def _():
            pltpu.make_async_copy(
                stage_b[s % 2],
                parts_hbm.at[pl.ds(cid * N + slab * SLAB, SLAB)],
                sem_out[s % 2]).wait()

    ostart(0)
    for s in range(SLAB_ITERS):
        if s >= 1:
            odrain(s - 1)
        if s + 1 < SLAB_ITERS:
            ostart(s + 1)
        ofinish(s)
    odrain(SLAB_ITERS - 1)


_TC_BLK = 2000
_TC_GRID = N // _TC_BLK


def _prescale_body(feat_ref, onorm_ref, h_ref):
    h_ref[...] = feat_ref[...] / onorm_ref[...]


def _final_body(p0_ref, p1_ref, inorm_ref, wt_ref, b_ref, o_ref):
    x = (p0_ref[...] + p1_ref[...]) / inorm_ref[...]
    o_ref[...] = (
        jnp.dot(x, wt_ref[...], preferred_element_type=jnp.float32) + b_ref[...]
    )


def kernel(feat, in_norm, out_norm, edge_index, W, b):
    h = pl.pallas_call(
        _prescale_body,
        grid=(_TC_GRID,),
        in_specs=[
            pl.BlockSpec((_TC_BLK, D), lambda i: (i, 0)),
            pl.BlockSpec((_TC_BLK, 1), lambda i: (i, 0)),
        ],
        out_specs=pl.BlockSpec((_TC_BLK, D), lambda i: (i, 0)),
        out_shape=jax.ShapeDtypeStruct((N, D), jnp.float32),
    )(feat, out_norm[:, None])

    src2 = edge_index[0].reshape(NW, EDGES_PER_TILE)
    dst3 = edge_index[1].reshape(NW, NCHUNK, CHUNK)
    parts = _sc_segment_sum(h, src2, dst3)

    out = pl.pallas_call(
        _final_body,
        grid=(_TC_GRID,),
        in_specs=[
            pl.BlockSpec((_TC_BLK, D), lambda i: (i, 0)),
            pl.BlockSpec((_TC_BLK, D), lambda i: (N // _TC_BLK + i, 0)),
            pl.BlockSpec((_TC_BLK, 1), lambda i: (i, 0)),
            pl.BlockSpec((D, D), lambda i: (0, 0)),
            pl.BlockSpec((1, D), lambda i: (0, 0)),
        ],
        out_specs=pl.BlockSpec((_TC_BLK, D), lambda i: (i, 0)),
        out_shape=jax.ShapeDtypeStruct((N, D), jnp.float32),
    )(parts, parts, in_norm[:, None], W.T, b[None, :])
    return out

# --- scband reference (transcript-rebuilt; emitter-appended) ---
"""Pipeline reference for scband-gcnlayer-22565758173846 (READ-ONLY COPY).

The authoritative reference and input builder live on the scoring server;
editing this copy changes nothing except your own understanding.
"""

import jax, jax.numpy as jnp
import numpy as np

N = 10000
E = 320000
D_IN = 128
D_OUT = 128


def setup_inputs(seed: int = 0) -> dict:
    key = jax.random.key(seed)
    k1, k2, k3, k4, k5, k6 = jax.random.split(key, 6)
    edge_index = jax.random.randint(k1, (2, E), 0, N).astype(jnp.int32)
    feat = jax.random.normal(k2, (N, D_IN), dtype=jnp.float32)
    # degree-like normalizers; keep strictly positive to avoid div-by-zero
    in_norm = jax.random.uniform(k3, (N,), dtype=jnp.float32, minval=0.5, maxval=1.5)
    out_norm = jax.random.uniform(k4, (N,), dtype=jnp.float32, minval=0.5, maxval=1.5)
    # Linear params, initialized like reset_parameters (uniform(-stdv, stdv))
    stdv = 1.0 / np.sqrt(D_IN)
    W = jax.random.uniform(k5, (D_OUT, D_IN), dtype=jnp.float32, minval=-stdv, maxval=stdv)
    b = jax.random.uniform(k6, (D_OUT,), dtype=jnp.float32, minval=-stdv, maxval=stdv)
    return {"feat": feat, "in_norm": in_norm, "out_norm": out_norm,
            "edge_index": edge_index, "W": W, "b": b}


def reference(feat, in_norm, out_norm, edge_index, W, b):
    # training path, use_pp=False:
    # h = feat / out_norm; message = copy_u; reduce = sum over dst; then /in_norm; then linear
    h = feat / out_norm[:, None]
    src = edge_index[0]
    dst = edge_index[1]
    msg = h[src]  # gather over source nodes
    agg = jax.ops.segment_sum(msg, dst, num_segments=N)  # scatter-add to dst nodes
    out = (agg / in_norm[:, None]) @ W.T + b
    return out

if __name__ == "__main__":
    import jax
    _d = setup_inputs()
    print(jax.jit(kernel)(*tuple(_d.values())))

</pallas_src>

<mosaic_0001>
#map = affine_map<(d0, d1) -> (0, 0)>
#map1 = affine_map<(d0, d1) -> (0, 0, 0)>
module attributes {stable_mosaic.version = 14 : i64} {
  func.func @_sc_segment_sum(%arg0: i32, %arg1: i32, %arg2: memref<10000x128xf32, #tpu.memory_space<hbm>>, %arg3: memref<32x10000xi32, #tpu.memory_space<hbm>>, %arg4: memref<32x125x80xi32, #tpu.memory_space<hbm>>, %arg5: memref<20000x128xf32, #tpu.memory_space<hbm>>, %arg6: memref<10000xi32, #tpu.memory_space<vmem>>, %arg7: memref<125x80xi32, #tpu.memory_space<vmem>>, %arg8: memref<80x128xf32, #tpu.memory_space<vmem>>, %arg9: memref<80x128xf32, #tpu.memory_space<vmem>>, %arg10: memref<10000x128xf32, #tpu.memory_space<vmem_shared>>, %arg11: memref<!tpu.dma_semaphore, #tpu.memory_space<semaphore_mem>>, %arg12: memref<!tpu.dma_semaphore, #tpu.memory_space<semaphore_mem>>, %arg13: memref<!tpu.dma_semaphore, #tpu.memory_space<semaphore_mem>>, %arg14: memref<!tpu.dma_semaphore, #tpu.memory_space<semaphore_mem>>) attributes {dimension_semantics = [#tpu.dimension_semantics<core_parallel>, #tpu.dimension_semantics<subcore_parallel>], iteration_bounds = array<i64: 2, 16>, scalar_prefetch = 0 : i64, scratch_operands = 9 : i64, tpu.core_type = #tpu.core_type<sc_vector_subcore>, window_params = [{transform_indices = #map}, {transform_indices = #map}, {transform_indices = #map1}, {transform_indices = #map}]} {
    %mul3A = arith.constant 16 : i32
    %mul3A_0 = arith.muli %arg0, %mul3A : i32
    %add3A = arith.addi %mul3A_0, %arg1 : i32
    %dma_start3A = arith.constant 0 : i32
    %dma_start3A_1 = tpu.memref_slice %arg3[%add3A, %dma_start3A] : memref<32x10000xi32, #tpu.memory_space<hbm>> -> memref<1x10000xi32, #tpu.memory_space<hbm>>
    %dma_start3A_2 = tpu.memref_squeeze %dma_start3A_1 : memref<1x10000xi32, #tpu.memory_space<hbm>> -> memref<10000xi32, #tpu.memory_space<hbm>>
    %dma_start3A_3 = arith.constant 0 : i32
    %dma_start3A_4 = tpu.memref_slice %arg3[%add3A, %dma_start3A_3] : memref<32x10000xi32, #tpu.memory_space<hbm>> -> memref<1x10000xi32, #tpu.memory_space<hbm>>
    %dma_start3A_5 = tpu.memref_squeeze %dma_start3A_4 : memref<1x10000xi32, #tpu.memory_space<hbm>> -> memref<10000xi32, #tpu.memory_space<hbm>>
    tpu.enqueue_dma source(%dma_start3A_5 : memref<10000xi32, #tpu.memory_space<hbm>>) target(%arg6 : memref<10000xi32, #tpu.memory_space<vmem>>) target_semaphore(%arg13 : memref<!tpu.dma_semaphore, #tpu.memory_space<semaphore_mem>>)
    %dma_start3A_6 = arith.constant 0 : i32
    %dma_start3A_7 = arith.constant 0 : i32
    %dma_start3A_8 = tpu.memref_slice %arg4[%add3A, %dma_start3A_6, %dma_start3A_7] : memref<32x125x80xi32, #tpu.memory_space<hbm>> -> memref<1x125x80xi32, #tpu.memory_space<hbm>>
    %dma_start3A_9 = tpu.memref_squeeze %dma_start3A_8 : memref<1x125x80xi32, #tpu.memory_space<hbm>> -> memref<125x80xi32, #tpu.memory_space<hbm>>
    %dma_start3A_10 = arith.constant 0 : i32
    %dma_start3A_11 = arith.constant 0 : i32
    %dma_start3A_12 = tpu.memref_slice %arg4[%add3A, %dma_start3A_10, %dma_start3A_11] : memref<32x125x80xi32, #tpu.memory_space<hbm>> -> memref<1x125x80xi32, #tpu.memory_space<hbm>>
    %dma_start3A_13 = tpu.memref_squeeze %dma_start3A_12 : memref<1x125x80xi32, #tpu.memory_space<hbm>> -> memref<125x80xi32, #tpu.memory_space<hbm>>
    tpu.enqueue_dma source(%dma_start3A_13 : memref<125x80xi32, #tpu.memory_space<hbm>>) target(%arg7 : memref<125x80xi32, #tpu.memory_space<vmem>>) target_semaphore(%arg14 : memref<!tpu.dma_semaphore, #tpu.memory_space<semaphore_mem>>)
    %scan3A = arith.constant 0 : i32
    %scan3A_14 = arith.constant 0 : i32
    %scan3A_15 = arith.constant 640 : i32
    %scan3A_16 = arith.addi %scan3A_14, %scan3A_15 : i32
    %scan3A_17 = arith.constant 1 : i32
    scf.for %scan3A_326 = %scan3A_14 to %scan3A_16 step %scan3A_17  : i32 {
      %jit3A = arith.constant 8 : i32
      %div3A = arith.divsi %scan3A_326, %jit3A : i32
      %sign3A = arith.constant 0 : i32
      %sign3A_327 = arith.cmpi sgt, %scan3A_326, %sign3A : i32
      %sign3A_328 = arith.extui %sign3A_327 : i1 to i32
      %sign3A_329 = arith.constant 0 : i32
      %sign3A_330 = arith.cmpi slt, %scan3A_326, %sign3A_329 : i32
      %sign3A_331 = arith.extui %sign3A_330 : i1 to i32
      %sign3A_332 = arith.subi %sign3A_328, %sign3A_331 : i32
      %sign3A_333 = arith.constant 0 : i32
      %sign3A_334 = arith.cmpi sgt, %jit3A, %sign3A_333 : i32
      %sign3A_335 = arith.extui %sign3A_334 : i1 to i32
      %sign3A_336 = arith.constant 0 : i32
      %sign3A_337 = arith.cmpi slt, %jit3A, %sign3A_336 : i32
      %sign3A_338 = arith.extui %sign3A_337 : i1 to i32
      %sign3A_339 = arith.subi %sign3A_335, %sign3A_338 : i32
      %ne3A = arith.cmpi ne, %sign3A_332, %sign3A_339 : i32
      %rem3A = arith.remsi %scan3A_326, %jit3A : i32
      %ne3A_340 = arith.constant 0 : i32
      %ne3A_341 = arith.cmpi ne, %rem3A, %ne3A_340 : i32
      %and3A = arith.andi %ne3A, %ne3A_341 : i1
      %sub3A = arith.constant 1 : i32
      %sub3A_342 = arith.subi %div3A, %sub3A : i32
      %select_n3A = arith.select %and3A, %sub3A_342, %div3A : i32
      %jit3A_343 = arith.constant 8 : i32
      %eq3A = arith.constant 0 : i32
      %eq3A_344 = arith.cmpi eq, %jit3A_343, %eq3A : i32
      %jit3A_345 = arith.constant 1 : i32
      %select_n3A_346 = arith.select %eq3A_344, %jit3A_345, %jit3A_343 : i32
      %rem3A_347 = arith.remsi %scan3A_326, %select_n3A_346 : i32
      %ne3A_348 = arith.constant 0 : i32
      %ne3A_349 = arith.cmpi ne, %rem3A_347, %ne3A_348 : i32
      %lt3A_350 = arith.constant 0 : i32
      %lt3A_351 = arith.cmpi slt, %rem3A_347, %lt3A_350 : i32
      %lt3A_352 = arith.constant 0 : i32
      %lt3A_353 = arith.cmpi slt, %select_n3A_346, %lt3A_352 : i32
      %ne3A_354 = arith.xori %lt3A_351, %lt3A_353 : i1
      %and3A_355 = arith.andi %ne3A_354, %ne3A_349 : i1
      %add3A_356 = arith.addi %rem3A_347, %select_n3A_346 : i32
      %select_n3A_357 = arith.select %and3A_355, %add3A_356, %rem3A_347 : i32
      %mul3A_358 = arith.constant 16 : i32
      %mul3A_359 = arith.muli %select_n3A_357, %mul3A_358 : i32
      %broadcast_in_dim3A = arith.constant 0.000000e+00 : f32
      %broadcast_in_dim3A_360 = vector.broadcast %broadcast_in_dim3A : f32 to vector<16xf32>
      %swap3A = arith.constant 0 : i32
      %swap3A_361 = arith.constant 0 : i32
      %swap3A_362 = tpu.memref_slice %arg9[%swap3A, %swap3A_361] : memref<80x128xf32, #tpu.memory_space<vmem>> -> memref<80x128xf32, #tpu.memory_space<vmem>>
      %swap3A_363 = arith.index_cast %select_n3A : i32 to index
      %swap3A_364 = arith.index_cast %mul3A_359 : i32 to index
      %swap3A_365 = tpu.vector_load %swap3A_362[%swap3A_363, %swap3A_364] {strides = array<i32>} : memref<80x128xf32, #tpu.memory_space<vmem>>, vector<1x16xf32>,
      %swap3A_366 = vector.shape_cast %swap3A_365 : vector<1x16xf32> to vector<16xf32>
      %swap3A_367 = vector.shape_cast %broadcast_in_dim3A_360 : vector<16xf32> to vector<1x16xf32>
      tpu.vector_store %swap3A_362[%swap3A_363, %swap3A_364], %swap3A_367 {strides = array<i32>} : memref<80x128xf32, #tpu.memory_space<vmem>>, vector<1x16xf32>,
    }
    %scan3A_18 = arith.constant 640 : i32
    %dma_wait3A = arith.constant 0 : i32
    %dma_wait3A_19 = tpu.memref_slice %arg3[%add3A, %dma_wait3A] : memref<32x10000xi32, #tpu.memory_space<hbm>> -> memref<1x10000xi32, #tpu.memory_space<hbm>>
    %dma_wait3A_20 = tpu.memref_squeeze %dma_wait3A_19 : memref<1x10000xi32, #tpu.memory_space<hbm>> -> memref<10000xi32, #tpu.memory_space<hbm>>
    %dma_wait3A_21 = arith.constant 0 : i32
    %dma_wait3A_22 = tpu.memref_slice %arg3[%add3A, %dma_wait3A_21] : memref<32x10000xi32, #tpu.memory_space<hbm>> -> memref<1x10000xi32, #tpu.memory_space<hbm>>
    %dma_wait3A_23 = tpu.memref_squeeze %dma_wait3A_22 : memref<1x10000xi32, #tpu.memory_space<hbm>> -> memref<10000xi32, #tpu.memory_space<hbm>>
    tpu.wait_dma2 semaphore(%arg13 : memref<!tpu.dma_semaphore, #tpu.memory_space<semaphore_mem>>) src(%dma_wait3A_23 : memref<10000xi32, #tpu.memory_space<hbm>>) dst(%arg6 : memref<10000xi32, #tpu.memory_space<vmem>>)
    %dma_start3A_24 = arith.constant 0 : i32
    %dma_start3A_25 = tpu.memref_slice %arg6[%dma_start3A_24] : memref<10000xi32, #tpu.memory_space<vmem>> -> memref<80xi32, #tpu.memory_space<vmem>>
    %dma_start3A_26 = arith.constant 0 : i32
    %dma_start3A_27 = arith.constant 0 : i32
    %dma_start3A_28 = tpu.memref_slice %arg2[%dma_start3A_26, %dma_start3A_27] : memref<10000x128xf32, #tpu.memory_space<hbm>> -> memref<10000x128xf32, #tpu.memory_space<hbm>>
    tpu.enqueue_indirect_dma source(%dma_start3A_28 : memref<10000x128xf32, #tpu.memory_space<hbm>>) target(%arg8 : memref<80x128xf32, #tpu.memory_space<vmem>>) offsets(%dma_start3A_25 : memref<80xi32, #tpu.memory_space<vmem>>) semaphore(%arg11 : memref<!tpu.dma_semaphore, #tpu.memory_space<semaphore_mem>>)
    %add3A_29 = arith.constant 0 : i32
    %add3A_30 = arith.addi %add3A_29, %arg1 : i32
    %lt3A = arith.constant 125 : i32
    %lt3A_31 = arith.cmpi slt, %add3A_30, %lt3A : i32
    %convert_element_type3A = arith.extui %lt3A_31 : i1 to i32
    %cond3A = arith.constant 0 : i32
    %cond3A_32 = arith.cmpi ne, %convert_element_type3A, %cond3A : i32
    scf.if %cond3A_32 {
      %mul3A_326 = arith.constant 80 : i32
      %mul3A_327 = arith.muli %add3A_30, %mul3A_326 : i32
      %dma_start3A_328 = arith.constant 0 : i32
      %dma_start3A_329 = arith.constant 0 : i32
      %dma_start3A_330 = tpu.memref_slice %arg9[%dma_start3A_328, %dma_start3A_329] : memref<80x128xf32, #tpu.memory_space<vmem>> -> memref<80x128xf32, #tpu.memory_space<vmem>>
      %dma_start3A_331 = arith.constant 0 : i32
      %dma_start3A_332 = tpu.memref_slice %arg10[%mul3A_327, %dma_start3A_331] : memref<10000x128xf32, #tpu.memory_space<vmem_shared>> -> memref<80x128xf32, #tpu.memory_space<vmem_shared>>
      %dma_start3A_333 = arith.constant 0 : i32
      %dma_start3A_334 = tpu.memref_slice %arg10[%mul3A_327, %dma_start3A_333] : memref<10000x128xf32, #tpu.memory_space<vmem_shared>> -> memref<80x128xf32, #tpu.memory_space<vmem_shared>>
      %dma_start3A_335 = arith.constant 0 : i32
      %dma_start3A_336 = arith.constant 0 : i32
      %dma_start3A_337 = tpu.memref_slice %arg9[%dma_start3A_335, %dma_start3A_336] : memref<80x128xf32, #tpu.memory_space<vmem>> -> memref<80x128xf32, #tpu.memory_space<vmem>>
      tpu.enqueue_dma source(%dma_start3A_337 : memref<80x128xf32, #tpu.memory_space<vmem>>) target(%dma_start3A_334 : memref<80x128xf32, #tpu.memory_space<vmem_shared>>) target_semaphore(%arg12 : memref<!tpu.dma_semaphore, #tpu.memory_space<semaphore_mem>>)
    } else {
    }
    %add3A_33 = arith.constant 16 : i32
    %add3A_34 = arith.addi %add3A_33, %arg1 : i32
    %lt3A_35 = arith.constant 125 : i32
    %lt3A_36 = arith.cmpi slt, %add3A_34, %lt3A_35 : i32
    %convert_element_type3A_37 = arith.extui %lt3A_36 : i1 to i32
    %cond3A_38 = arith.constant 0 : i32
    %cond3A_39 = arith.cmpi ne, %convert_element_type3A_37, %cond3A_38 : i32
    scf.if %cond3A_39 {
      %mul3A_326 = arith.constant 80 : i32
      %mul3A_327 = arith.muli %add3A_34, %mul3A_326 : i32
      %dma_start3A_328 = arith.constant 0 : i32
      %dma_start3A_329 = arith.constant 0 : i32
      %dma_start3A_330 = tpu.memref_slice %arg9[%dma_start3A_328, %dma_start3A_329] : memref<80x128xf32, #tpu.memory_space<vmem>> -> memref<80x128xf32, #tpu.memory_space<vmem>>
      %dma_start3A_331 = arith.constant 0 : i32
      %dma_start3A_332 = tpu.memref_slice %arg10[%mul3A_327, %dma_start3A_331] : memref<10000x128xf32, #tpu.memory_space<vmem_shared>> -> memref<80x128xf32, #tpu.memory_space<vmem_shared>>
      %dma_start3A_333 = arith.constant 0 : i32
      %dma_start3A_334 = tpu.memref_slice %arg10[%mul3A_327, %dma_start3A_333] : memref<10000x128xf32, #tpu.memory_space<vmem_shared>> -> memref<80x128xf32, #tpu.memory_space<vmem_shared>>
      %dma_start3A_335 = arith.constant 0 : i32
      %dma_start3A_336 = arith.constant 0 : i32
      %dma_start3A_337 = tpu.memref_slice %arg9[%dma_start3A_335, %dma_start3A_336] : memref<80x128xf32, #tpu.memory_space<vmem>> -> memref<80x128xf32, #tpu.memory_space<vmem>>
      tpu.enqueue_dma source(%dma_start3A_337 : memref<80x128xf32, #tpu.memory_space<vmem>>) target(%dma_start3A_334 : memref<80x128xf32, #tpu.memory_space<vmem_shared>>) target_semaphore(%arg12 : memref<!tpu.dma_semaphore, #tpu.memory_space<semaphore_mem>>)
    } else {
    }
    %add3A_40 = arith.constant 32 : i32
    %add3A_41 = arith.addi %add3A_40, %arg1 : i32
    %lt3A_42 = arith.constant 125 : i32
    %lt3A_43 = arith.cmpi slt, %add3A_41, %lt3A_42 : i32
    %convert_element_type3A_44 = arith.extui %lt3A_43 : i1 to i32
    %cond3A_45 = arith.constant 0 : i32
    %cond3A_46 = arith.cmpi ne, %convert_element_type3A_44, %cond3A_45 : i32
    scf.if %cond3A_46 {
      %mul3A_326 = arith.constant 80 : i32
      %mul3A_327 = arith.muli %add3A_41, %mul3A_326 : i32
      %dma_start3A_328 = arith.constant 0 : i32
      %dma_start3A_329 = arith.constant 0 : i32
      %dma_start3A_330 = tpu.memref_slice %arg9[%dma_start3A_328, %dma_start3A_329] : memref<80x128xf32, #tpu.memory_space<vmem>> -> memref<80x128xf32, #tpu.memory_space<vmem>>
      %dma_start3A_331 = arith.constant 0 : i32
      %dma_start3A_332 = tpu.memref_slice %arg10[%mul3A_327, %dma_start3A_331] : memref<10000x128xf32, #tpu.memory_space<vmem_shared>> -> memref<80x128xf32, #tpu.memory_space<vmem_shared>>
      %dma_start3A_333 = arith.constant 0 : i32
      %dma_start3A_334 = tpu.memref_slice %arg10[%mul3A_327, %dma_start3A_333] : memref<10000x128xf32, #tpu.memory_space<vmem_shared>> -> memref<80x128xf32, #tpu.memory_space<vmem_shared>>
      %dma_start3A_335 = arith.constant 0 : i32
      %dma_start3A_336 = arith.constant 0 : i32
      %dma_start3A_337 = tpu.memref_slice %arg9[%dma_start3A_335, %dma_start3A_336] : memref<80x128xf32, #tpu.memory_space<vmem>> -> memref<80x128xf32, #tpu.memory_space<vmem>>
      tpu.enqueue_dma source(%dma_start3A_337 : memref<80x128xf32, #tpu.memory_space<vmem>>) target(%dma_start3A_334 : memref<80x128xf32, #tpu.memory_space<vmem_shared>>) target_semaphore(%arg12 : memref<!tpu.dma_semaphore, #tpu.memory_space<semaphore_mem>>)
    } else {
    }
    %add3A_47 = arith.constant 48 : i32
    %add3A_48 = arith.addi %add3A_47, %arg1 : i32
    %lt3A_49 = arith.constant 125 : i32
    %lt3A_50 = arith.cmpi slt, %add3A_48, %lt3A_49 : i32
    %convert_element_type3A_51 = arith.extui %lt3A_50 : i1 to i32
    %cond3A_52 = arith.constant 0 : i32
    %cond3A_53 = arith.cmpi ne, %convert_element_type3A_51, %cond3A_52 : i32
    scf.if %cond3A_53 {
      %mul3A_326 = arith.constant 80 : i32
      %mul3A_327 = arith.muli %add3A_48, %mul3A_326 : i32
      %dma_start3A_328 = arith.constant 0 : i32
      %dma_start3A_329 = arith.constant 0 : i32
      %dma_start3A_330 = tpu.memref_slice %arg9[%dma_start3A_328, %dma_start3A_329] : memref<80x128xf32, #tpu.memory_space<vmem>> -> memref<80x128xf32, #tpu.memory_space<vmem>>
      %dma_start3A_331 = arith.constant 0 : i32
      %dma_start3A_332 = tpu.memref_slice %arg10[%mul3A_327, %dma_start3A_331] : memref<10000x128xf32, #tpu.memory_space<vmem_shared>> -> memref<80x128xf32, #tpu.memory_space<vmem_shared>>
      %dma_start3A_333 = arith.constant 0 : i32
      %dma_start3A_334 = tpu.memref_slice %arg10[%mul3A_327, %dma_start3A_333] : memref<10000x128xf32, #tpu.memory_space<vmem_shared>> -> memref<80x128xf32, #tpu.memory_space<vmem_shared>>
      %dma_start3A_335 = arith.constant 0 : i32
      %dma_start3A_336 = arith.constant 0 : i32
      %dma_start3A_337 = tpu.memref_slice %arg9[%dma_start3A_335, %dma_start3A_336] : memref<80x128xf32, #tpu.memory_space<vmem>> -> memref<80x128xf32, #tpu.memory_space<vmem>>
      tpu.enqueue_dma source(%dma_start3A_337 : memref<80x128xf32, #tpu.memory_space<vmem>>) target(%dma_start3A_334 : memref<80x128xf32, #tpu.memory_space<vmem_shared>>) target_semaphore(%arg12 : memref<!tpu.dma_semaphore, #tpu.memory_space<semaphore_mem>>)
    } else {
    }
    %add3A_54 = arith.constant 64 : i32
    %add3A_55 = arith.addi %add3A_54, %arg1 : i32
    %lt3A_56 = arith.constant 125 : i32
    %lt3A_57 = arith.cmpi slt, %add3A_55, %lt3A_56 : i32
    %convert_element_type3A_58 = arith.extui %lt3A_57 : i1 to i32
    %cond3A_59 = arith.constant 0 : i32
    %cond3A_60 = arith.cmpi ne, %convert_element_type3A_58, %cond3A_59 : i32
    scf.if %cond3A_60 {
      %mul3A_326 = arith.constant 80 : i32
      %mul3A_327 = arith.muli %add3A_55, %mul3A_326 : i32
      %dma_start3A_328 = arith.constant 0 : i32
      %dma_start3A_329 = arith.constant 0 : i32
      %dma_start3A_330 = tpu.memref_slice %arg9[%dma_start3A_328, %dma_start3A_329] : memref<80x128xf32, #tpu.memory_space<vmem>> -> memref<80x128xf32, #tpu.memory_space<vmem>>
      %dma_start3A_331 = arith.constant 0 : i32
      %dma_start3A_332 = tpu.memref_slice %arg10[%mul3A_327, %dma_start3A_331] : memref<10000x128xf32, #tpu.memory_space<vmem_shared>> -> memref<80x128xf32, #tpu.memory_space<vmem_shared>>
      %dma_start3A_333 = arith.constant 0 : i32
      %dma_start3A_334 = tpu.memref_slice %arg10[%mul3A_327, %dma_start3A_333] : memref<10000x128xf32, #tpu.memory_space<vmem_shared>> -> memref<80x128xf32, #tpu.memory_space<vmem_shared>>
      %dma_start3A_335 = arith.constant 0 : i32
      %dma_start3A_336 = arith.constant 0 : i32
      %dma_start3A_337 = tpu.memref_slice %arg9[%dma_start3A_335, %dma_start3A_336] : memref<80x128xf32, #tpu.memory_space<vmem>> -> memref<80x128xf32, #tpu.memory_space<vmem>>
      tpu.enqueue_dma source(%dma_start3A_337 : memref<80x128xf32, #tpu.memory_space<vmem>>) target(%dma_start3A_334 : memref<80x128xf32, #tpu.memory_space<vmem_shared>>) target_semaphore(%arg12 : memref<!tpu.dma_semaphore, #tpu.memory_space<semaphore_mem>>)
    } else {
    }
    %add3A_61 = arith.constant 80 : i32
    %add3A_62 = arith.addi %add3A_61, %arg1 : i32
    %lt3A_63 = arith.constant 125 : i32
    %lt3A_64 = arith.cmpi slt, %add3A_62, %lt3A_63 : i32
    %convert_element_type3A_65 = arith.extui %lt3A_64 : i1 to i32
    %cond3A_66 = arith.constant 0 : i32
    %cond3A_67 = arith.cmpi ne, %convert_element_type3A_65, %cond3A_66 : i32
    scf.if %cond3A_67 {
      %mul3A_326 = arith.constant 80 : i32
      %mul3A_327 = arith.muli %add3A_62, %mul3A_326 : i32
      %dma_start3A_328 = arith.constant 0 : i32
      %dma_start3A_329 = arith.constant 0 : i32
      %dma_start3A_330 = tpu.memref_slice %arg9[%dma_start3A_328, %dma_start3A_329] : memref<80x128xf32, #tpu.memory_space<vmem>> -> memref<80x128xf32, #tpu.memory_space<vmem>>
      %dma_start3A_331 = arith.constant 0 : i32
      %dma_start3A_332 = tpu.memref_slice %arg10[%mul3A_327, %dma_start3A_331] : memref<10000x128xf32, #tpu.memory_space<vmem_shared>> -> memref<80x128xf32, #tpu.memory_space<vmem_shared>>
      %dma_start3A_333 = arith.constant 0 : i32
      %dma_start3A_334 = tpu.memref_slice %arg10[%mul3A_327, %dma_start3A_333] : memref<10000x128xf32, #tpu.memory_space<vmem_shared>> -> memref<80x128xf32, #tpu.memory_space<vmem_shared>>
      %dma_start3A_335 = arith.constant 0 : i32
      %dma_start3A_336 = arith.constant 0 : i32
      %dma_start3A_337 = tpu.memref_slice %arg9[%dma_start3A_335, %dma_start3A_336] : memref<80x128xf32, #tpu.memory_space<vmem>> -> memref<80x128xf32, #tpu.memory_space<vmem>>
      tpu.enqueue_dma source(%dma_start3A_337 : memref<80x128xf32, #tpu.memory_space<vmem>>) target(%dma_start3A_334 : memref<80x128xf32, #tpu.memory_space<vmem_shared>>) target_semaphore(%arg12 : memref<!tpu.dma_semaphore, #tpu.memory_space<semaphore_mem>>)
    } else {
    }
    %add3A_68 = arith.constant 96 : i32
    %add3A_69 = arith.addi %add3A_68, %arg1 : i32
    %lt3A_70 = arith.constant 125 : i32
    %lt3A_71 = arith.cmpi slt, %add3A_69, %lt3A_70 : i32
    %convert_element_type3A_72 = arith.extui %lt3A_71 : i1 to i32
    %cond3A_73 = arith.constant 0 : i32
    %cond3A_74 = arith.cmpi ne, %convert_element_type3A_72, %cond3A_73 : i32
    scf.if %cond3A_74 {
      %mul3A_326 = arith.constant 80 : i32
      %mul3A_327 = arith.muli %add3A_69, %mul3A_326 : i32
      %dma_start3A_328 = arith.constant 0 : i32
      %dma_start3A_329 = arith.constant 0 : i32
      %dma_start3A_330 = tpu.memref_slice %arg9[%dma_start3A_328, %dma_start3A_329] : memref<80x128xf32, #tpu.memory_space<vmem>> -> memref<80x128xf32, #tpu.memory_space<vmem>>
      %dma_start3A_331 = arith.constant 0 : i32
      %dma_start3A_332 = tpu.memref_slice %arg10[%mul3A_327, %dma_start3A_331] : memref<10000x128xf32, #tpu.memory_space<vmem_shared>> -> memref<80x128xf32, #tpu.memory_space<vmem_shared>>
      %dma_start3A_333 = arith.constant 0 : i32
      %dma_start3A_334 = tpu.memref_slice %arg10[%mul3A_327, %dma_start3A_333] : memref<10000x128xf32, #tpu.memory_space<vmem_shared>> -> memref<80x128xf32, #tpu.memory_space<vmem_shared>>
      %dma_start3A_335 = arith.constant 0 : i32
      %dma_start3A_336 = arith.constant 0 : i32
      %dma_start3A_337 = tpu.memref_slice %arg9[%dma_start3A_335, %dma_start3A_336] : memref<80x128xf32, #tpu.memory_space<vmem>> -> memref<80x128xf32, #tpu.memory_space<vmem>>
      tpu.enqueue_dma source(%dma_start3A_337 : memref<80x128xf32, #tpu.memory_space<vmem>>) target(%dma_start3A_334 : memref<80x128xf32, #tpu.memory_space<vmem_shared>>) target_semaphore(%arg12 : memref<!tpu.dma_semaphore, #tpu.memory_space<semaphore_mem>>)
    } else {
    }
    %add3A_75 = arith.constant 112 : i32
    %add3A_76 = arith.addi %add3A_75, %arg1 : i32
    %lt3A_77 = arith.constant 125 : i32
    %lt3A_78 = arith.cmpi slt, %add3A_76, %lt3A_77 : i32
    %convert_element_type3A_79 = arith.extui %lt3A_78 : i1 to i32
    %cond3A_80 = arith.constant 0 : i32
    %cond3A_81 = arith.cmpi ne, %convert_element_type3A_79, %cond3A_80 : i32
    scf.if %cond3A_81 {
      %mul3A_326 = arith.constant 80 : i32
      %mul3A_327 = arith.muli %add3A_76, %mul3A_326 : i32
      %dma_start3A_328 = arith.constant 0 : i32
      %dma_start3A_329 = arith.constant 0 : i32
      %dma_start3A_330 = tpu.memref_slice %arg9[%dma_start3A_328, %dma_start3A_329] : memref<80x128xf32, #tpu.memory_space<vmem>> -> memref<80x128xf32, #tpu.memory_space<vmem>>
      %dma_start3A_331 = arith.constant 0 : i32
      %dma_start3A_332 = tpu.memref_slice %arg10[%mul3A_327, %dma_start3A_331] : memref<10000x128xf32, #tpu.memory_space<vmem_shared>> -> memref<80x128xf32, #tpu.memory_space<vmem_shared>>
      %dma_start3A_333 = arith.constant 0 : i32
      %dma_start3A_334 = tpu.memref_slice %arg10[%mul3A_327, %dma_start3A_333] : memref<10000x128xf32, #tpu.memory_space<vmem_shared>> -> memref<80x128xf32, #tpu.memory_space<vmem_shared>>
      %dma_start3A_335 = arith.constant 0 : i32
      %dma_start3A_336 = arith.constant 0 : i32
      %dma_start3A_337 = tpu.memref_slice %arg9[%dma_start3A_335, %dma_start3A_336] : memref<80x128xf32, #tpu.memory_space<vmem>> -> memref<80x128xf32, #tpu.memory_space<vmem>>
      tpu.enqueue_dma source(%dma_start3A_337 : memref<80x128xf32, #tpu.memory_space<vmem>>) target(%dma_start3A_334 : memref<80x128xf32, #tpu.memory_space<vmem_shared>>) target_semaphore(%arg12 : memref<!tpu.dma_semaphore, #tpu.memory_space<semaphore_mem>>)
    } else {
    }
    %add3A_82 = arith.constant 0 : i32
    %add3A_83 = arith.addi %add3A_82, %arg1 : i32
    %lt3A_84 = arith.constant 125 : i32
    %lt3A_85 = arith.cmpi slt, %add3A_83, %lt3A_84 : i32
    %convert_element_type3A_86 = arith.extui %lt3A_85 : i1 to i32
    %cond3A_87 = arith.constant 0 : i32
    %cond3A_88 = arith.cmpi ne, %convert_element_type3A_86, %cond3A_87 : i32
    scf.if %cond3A_88 {
      %mul3A_326 = arith.constant 80 : i32
      %mul3A_327 = arith.muli %add3A_83, %mul3A_326 : i32
      %dma_wait3A_328 = arith.constant 0 : i32
      %dma_wait3A_329 = arith.constant 0 : i32
      %dma_wait3A_330 = tpu.memref_slice %arg9[%dma_wait3A_328, %dma_wait3A_329] : memref<80x128xf32, #tpu.memory_space<vmem>> -> memref<80x128xf32, #tpu.memory_space<vmem>>
      %dma_wait3A_331 = arith.constant 0 : i32
      %dma_wait3A_332 = tpu.memref_slice %arg10[%mul3A_327, %dma_wait3A_331] : memref<10000x128xf32, #tpu.memory_space<vmem_shared>> -> memref<80x128xf32, #tpu.memory_space<vmem_shared>>
      %dma_wait3A_333 = arith.constant 0 : i32
      %dma_wait3A_334 = tpu.memref_slice %arg10[%mul3A_327, %dma_wait3A_333] : memref<10000x128xf32, #tpu.memory_space<vmem_shared>> -> memref<80x128xf32, #tpu.memory_space<vmem_shared>>
      %dma_wait3A_335 = arith.constant 0 : i32
      %dma_wait3A_336 = arith.constant 0 : i32
      %dma_wait3A_337 = tpu.memref_slice %arg9[%dma_wait3A_335, %dma_wait3A_336] : memref<80x128xf32, #tpu.memory_space<vmem>> -> memref<80x128xf32, #tpu.memory_space<vmem>>
      tpu.wait_dma2 semaphore(%arg12 : memref<!tpu.dma_semaphore, #tpu.memory_space<semaphore_mem>>) src(%dma_wait3A_337 : memref<80x128xf32, #tpu.memory_space<vmem>>) dst(%dma_wait3A_334 : memref<80x128xf32, #tpu.memory_space<vmem_shared>>)
    } else {
    }
    %add3A_89 = arith.constant 16 : i32
    %add3A_90 = arith.addi %add3A_89, %arg1 : i32
    %lt3A_91 = arith.constant 125 : i32
    %lt3A_92 = arith.cmpi slt, %add3A_90, %lt3A_91 : i32
    %convert_element_type3A_93 = arith.extui %lt3A_92 : i1 to i32
    %cond3A_94 = arith.constant 0 : i32
    %cond3A_95 = arith.cmpi ne, %convert_element_type3A_93, %cond3A_94 : i32
    scf.if %cond3A_95 {
      %mul3A_326 = arith.constant 80 : i32
      %mul3A_327 = arith.muli %add3A_90, %mul3A_326 : i32
      %dma_wait3A_328 = arith.constant 0 : i32
      %dma_wait3A_329 = arith.constant 0 : i32
      %dma_wait3A_330 = tpu.memref_slice %arg9[%dma_wait3A_328, %dma_wait3A_329] : memref<80x128xf32, #tpu.memory_space<vmem>> -> memref<80x128xf32, #tpu.memory_space<vmem>>
      %dma_wait3A_331 = arith.constant 0 : i32
      %dma_wait3A_332 = tpu.memref_slice %arg10[%mul3A_327, %dma_wait3A_331] : memref<10000x128xf32, #tpu.memory_space<vmem_shared>> -> memref<80x128xf32, #tpu.memory_space<vmem_shared>>
      %dma_wait3A_333 = arith.constant 0 : i32
      %dma_wait3A_334 = tpu.memref_slice %arg10[%mul3A_327, %dma_wait3A_333] : memref<10000x128xf32, #tpu.memory_space<vmem_shared>> -> memref<80x128xf32, #tpu.memory_space<vmem_shared>>
      %dma_wait3A_335 = arith.constant 0 : i32
      %dma_wait3A_336 = arith.constant 0 : i32
      %dma_wait3A_337 = tpu.memref_slice %arg9[%dma_wait3A_335, %dma_wait3A_336] : memref<80x128xf32, #tpu.memory_space<vmem>> -> memref<80x128xf32, #tpu.memory_space<vmem>>
      tpu.wait_dma2 semaphore(%arg12 : memref<!tpu.dma_semaphore, #tpu.memory_space<semaphore_mem>>) src(%dma_wait3A_337 : memref<80x128xf32, #tpu.memory_space<vmem>>) dst(%dma_wait3A_334 : memref<80x128xf32, #tpu.memory_space<vmem_shared>>)
    } else {
    }
    %add3A_96 = arith.constant 32 : i32
    %add3A_97 = arith.addi %add3A_96, %arg1 : i32
    %lt3A_98 = arith.constant 125 : i32
    %lt3A_99 = arith.cmpi slt, %add3A_97, %lt3A_98 : i32
    %convert_element_type3A_100 = arith.extui %lt3A_99 : i1 to i32
    %cond3A_101 = arith.constant 0 : i32
    %cond3A_102 = arith.cmpi ne, %convert_element_type3A_100, %cond3A_101 : i32
    scf.if %cond3A_102 {
      %mul3A_326 = arith.constant 80 : i32
      %mul3A_327 = arith.muli %add3A_97, %mul3A_326 : i32
      %dma_wait3A_328 = arith.constant 0 : i32
      %dma_wait3A_329 = arith.constant 0 : i32
      %dma_wait3A_330 = tpu.memref_slice %arg9[%dma_wait3A_328, %dma_wait3A_329] : memref<80x128xf32, #tpu.memory_space<vmem>> -> memref<80x128xf32, #tpu.memory_space<vmem>>
      %dma_wait3A_331 = arith.constant 0 : i32
      %dma_wait3A_332 = tpu.memref_slice %arg10[%mul3A_327, %dma_wait3A_331] : memref<10000x128xf32, #tpu.memory_space<vmem_shared>> -> memref<80x128xf32, #tpu.memory_space<vmem_shared>>
      %dma_wait3A_333 = arith.constant 0 : i32
      %dma_wait3A_334 = tpu.memref_slice %arg10[%mul3A_327, %dma_wait3A_333] : memref<10000x128xf32, #tpu.memory_space<vmem_shared>> -> memref<80x128xf32, #tpu.memory_space<vmem_shared>>
      %dma_wait3A_335 = arith.constant 0 : i32
      %dma_wait3A_336 = arith.constant 0 : i32
      %dma_wait3A_337 = tpu.memref_slice %arg9[%dma_wait3A_335, %dma_wait3A_336] : memref<80x128xf32, #tpu.memory_space<vmem>> -> memref<80x128xf32, #tpu.memory_space<vmem>>
      tpu.wait_dma2 semaphore(%arg12 : memref<!tpu.dma_semaphore, #tpu.memory_space<semaphore_mem>>) src(%dma_wait3A_337 : memref<80x128xf32, #tpu.memory_space<vmem>>) dst(%dma_wait3A_334 : memref<80x128xf32, #tpu.memory_space<vmem_shared>>)
    } else {
    }
    %add3A_103 = arith.constant 48 : i32
    %add3A_104 = arith.addi %add3A_103, %arg1 : i32
    %lt3A_105 = arith.constant 125 : i32
    %lt3A_106 = arith.cmpi slt, %add3A_104, %lt3A_105 : i32
    %convert_element_type3A_107 = arith.extui %lt3A_106 : i1 to i32
    %cond3A_108 = arith.constant 0 : i32
    %cond3A_109 = arith.cmpi ne, %convert_element_type3A_107, %cond3A_108 : i32
    scf.if %cond3A_109 {
      %mul3A_326 = arith.constant 80 : i32
      %mul3A_327 = arith.muli %add3A_104, %mul3A_326 : i32
      %dma_wait3A_328 = arith.constant 0 : i32
      %dma_wait3A_329 = arith.constant 0 : i32
      %dma_wait3A_330 = tpu.memref_slice %arg9[%dma_wait3A_328, %dma_wait3A_329] : memref<80x128xf32, #tpu.memory_space<vmem>> -> memref<80x128xf32, #tpu.memory_space<vmem>>
      %dma_wait3A_331 = arith.constant 0 : i32
      %dma_wait3A_332 = tpu.memref_slice %arg10[%mul3A_327, %dma_wait3A_331] : memref<10000x128xf32, #tpu.memory_space<vmem_shared>> -> memref<80x128xf32, #tpu.memory_space<vmem_shared>>
      %dma_wait3A_333 = arith.constant 0 : i32
      %dma_wait3A_334 = tpu.memref_slice %arg10[%mul3A_327, %dma_wait3A_333] : memref<10000x128xf32, #tpu.memory_space<vmem_shared>> -> memref<80x128xf32, #tpu.memory_space<vmem_shared>>
      %dma_wait3A_335 = arith.constant 0 : i32
      %dma_wait3A_336 = arith.constant 0 : i32
      %dma_wait3A_337 = tpu.memref_slice %arg9[%dma_wait3A_335, %dma_wait3A_336] : memref<80x128xf32, #tpu.memory_space<vmem>> -> memref<80x128xf32, #tpu.memory_space<vmem>>
      tpu.wait_dma2 semaphore(%arg12 : memref<!tpu.dma_semaphore, #tpu.memory_space<semaphore_mem>>) src(%dma_wait3A_337 : memref<80x128xf32, #tpu.memory_space<vmem>>) dst(%dma_wait3A_334 : memref<80x128xf32, #tpu.memory_space<vmem_shared>>)
    } else {
    }
    %add3A_110 = arith.constant 64 : i32
    %add3A_111 = arith.addi %add3A_110, %arg1 : i32
    %lt3A_112 = arith.constant 125 : i32
    %lt3A_113 = arith.cmpi slt, %add3A_111, %lt3A_112 : i32
    %convert_element_type3A_114 = arith.extui %lt3A_113 : i1 to i32
    %cond3A_115 = arith.constant 0 : i32
    %cond3A_116 = arith.cmpi ne, %convert_element_type3A_114, %cond3A_115 : i32
    scf.if %cond3A_116 {
      %mul3A_326 = arith.constant 80 : i32
      %mul3A_327 = arith.muli %add3A_111, %mul3A_326 : i32
      %dma_wait3A_328 = arith.constant 0 : i32
      %dma_wait3A_329 = arith.constant 0 : i32
      %dma_wait3A_330 = tpu.memref_slice %arg9[%dma_wait3A_328, %dma_wait3A_329] : memref<80x128xf32, #tpu.memory_space<vmem>> -> memref<80x128xf32, #tpu.memory_space<vmem>>
      %dma_wait3A_331 = arith.constant 0 : i32
      %dma_wait3A_332 = tpu.memref_slice %arg10[%mul3A_327, %dma_wait3A_331] : memref<10000x128xf32, #tpu.memory_space<vmem_shared>> -> memref<80x128xf32, #tpu.memory_space<vmem_shared>>
      %dma_wait3A_333 = arith.constant 0 : i32
      %dma_wait3A_334 = tpu.memref_slice %arg10[%mul3A_327, %dma_wait3A_333] : memref<10000x128xf32, #tpu.memory_space<vmem_shared>> -> memref<80x128xf32, #tpu.memory_space<vmem_shared>>
      %dma_wait3A_335 = arith.constant 0 : i32
      %dma_wait3A_336 = arith.constant 0 : i32
      %dma_wait3A_337 = tpu.memref_slice %arg9[%dma_wait3A_335, %dma_wait3A_336] : memref<80x128xf32, #tpu.memory_space<vmem>> -> memref<80x128xf32, #tpu.memory_space<vmem>>
      tpu.wait_dma2 semaphore(%arg12 : memref<!tpu.dma_semaphore, #tpu.memory_space<semaphore_mem>>) src(%dma_wait3A_337 : memref<80x128xf32, #tpu.memory_space<vmem>>) dst(%dma_wait3A_334 : memref<80x128xf32, #tpu.memory_space<vmem_shared>>)
    } else {
    }
    %add3A_117 = arith.constant 80 : i32
    %add3A_118 = arith.addi %add3A_117, %arg1 : i32
    %lt3A_119 = arith.constant 125 : i32
    %lt3A_120 = arith.cmpi slt, %add3A_118, %lt3A_119 : i32
    %convert_element_type3A_121 = arith.extui %lt3A_120 : i1 to i32
    %cond3A_122 = arith.constant 0 : i32
    %cond3A_123 = arith.cmpi ne, %convert_element_type3A_121, %cond3A_122 : i32
    scf.if %cond3A_123 {
      %mul3A_326 = arith.constant 80 : i32
      %mul3A_327 = arith.muli %add3A_118, %mul3A_326 : i32
      %dma_wait3A_328 = arith.constant 0 : i32
      %dma_wait3A_329 = arith.constant 0 : i32
      %dma_wait3A_330 = tpu.memref_slice %arg9[%dma_wait3A_328, %dma_wait3A_329] : memref<80x128xf32, #tpu.memory_space<vmem>> -> memref<80x128xf32, #tpu.memory_space<vmem>>
      %dma_wait3A_331 = arith.constant 0 : i32
      %dma_wait3A_332 = tpu.memref_slice %arg10[%mul3A_327, %dma_wait3A_331] : memref<10000x128xf32, #tpu.memory_space<vmem_shared>> -> memref<80x128xf32, #tpu.memory_space<vmem_shared>>
      %dma_wait3A_333 = arith.constant 0 : i32
      %dma_wait3A_334 = tpu.memref_slice %arg10[%mul3A_327, %dma_wait3A_333] : memref<10000x128xf32, #tpu.memory_space<vmem_shared>> -> memref<80x128xf32, #tpu.memory_space<vmem_shared>>
      %dma_wait3A_335 = arith.constant 0 : i32
      %dma_wait3A_336 = arith.constant 0 : i32
      %dma_wait3A_337 = tpu.memref_slice %arg9[%dma_wait3A_335, %dma_wait3A_336] : memref<80x128xf32, #tpu.memory_space<vmem>> -> memref<80x128xf32, #tpu.memory_space<vmem>>
      tpu.wait_dma2 semaphore(%arg12 : memref<!tpu.dma_semaphore, #tpu.memory_space<semaphore_mem>>) src(%dma_wait3A_337 : memref<80x128xf32, #tpu.memory_space<vmem>>) dst(%dma_wait3A_334 : memref<80x128xf32, #tpu.memory_space<vmem_shared>>)
    } else {
    }
    %add3A_124 = arith.constant 96 : i32
    %add3A_125 = arith.addi %add3A_124, %arg1 : i32
    %lt3A_126 = arith.constant 125 : i32
    %lt3A_127 = arith.cmpi slt, %add3A_125, %lt3A_126 : i32
    %convert_element_type3A_128 = arith.extui %lt3A_127 : i1 to i32
    %cond3A_129 = arith.constant 0 : i32
    %cond3A_130 = arith.cmpi ne, %convert_element_type3A_128, %cond3A_129 : i32
    scf.if %cond3A_130 {
      %mul3A_326 = arith.constant 80 : i32
      %mul3A_327 = arith.muli %add3A_125, %mul3A_326 : i32
      %dma_wait3A_328 = arith.constant 0 : i32
      %dma_wait3A_329 = arith.constant 0 : i32
      %dma_wait3A_330 = tpu.memref_slice %arg9[%dma_wait3A_328, %dma_wait3A_329] : memref<80x128xf32, #tpu.memory_space<vmem>> -> memref<80x128xf32, #tpu.memory_space<vmem>>
      %dma_wait3A_331 = arith.constant 0 : i32
      %dma_wait3A_332 = tpu.memref_slice %arg10[%mul3A_327, %dma_wait3A_331] : memref<10000x128xf32, #tpu.memory_space<vmem_shared>> -> memref<80x128xf32, #tpu.memory_space<vmem_shared>>
      %dma_wait3A_333 = arith.constant 0 : i32
      %dma_wait3A_334 = tpu.memref_slice %arg10[%mul3A_327, %dma_wait3A_333] : memref<10000x128xf32, #tpu.memory_space<vmem_shared>> -> memref<80x128xf32, #tpu.memory_space<vmem_shared>>
      %dma_wait3A_335 = arith.constant 0 : i32
      %dma_wait3A_336 = arith.constant 0 : i32
      %dma_wait3A_337 = tpu.memref_slice %arg9[%dma_wait3A_335, %dma_wait3A_336] : memref<80x128xf32, #tpu.memory_space<vmem>> -> memref<80x128xf32, #tpu.memory_space<vmem>>
      tpu.wait_dma2 semaphore(%arg12 : memref<!tpu.dma_semaphore, #tpu.memory_space<semaphore_mem>>) src(%dma_wait3A_337 : memref<80x128xf32, #tpu.memory_space<vmem>>) dst(%dma_wait3A_334 : memref<80x128xf32, #tpu.memory_space<vmem_shared>>)
    } else {
    }
    %add3A_131 = arith.constant 112 : i32
    %add3A_132 = arith.addi %add3A_131, %arg1 : i32
    %lt3A_133 = arith.constant 125 : i32
    %lt3A_134 = arith.cmpi slt, %add3A_132, %lt3A_133 : i32
    %convert_element_type3A_135 = arith.extui %lt3A_134 : i1 to i32
    %cond3A_136 = arith.constant 0 : i32
    %cond3A_137 = arith.cmpi ne, %convert_element_type3A_135, %cond3A_136 : i32
    scf.if %cond3A_137 {
      %mul3A_326 = arith.constant 80 : i32
      %mul3A_327 = arith.muli %add3A_132, %mul3A_326 : i32
      %dma_wait3A_328 = arith.constant 0 : i32
      %dma_wait3A_329 = arith.constant 0 : i32
      %dma_wait3A_330 = tpu.memref_slice %arg9[%dma_wait3A_328, %dma_wait3A_329] : memref<80x128xf32, #tpu.memory_space<vmem>> -> memref<80x128xf32, #tpu.memory_space<vmem>>
      %dma_wait3A_331 = arith.constant 0 : i32
      %dma_wait3A_332 = tpu.memref_slice %arg10[%mul3A_327, %dma_wait3A_331] : memref<10000x128xf32, #tpu.memory_space<vmem_shared>> -> memref<80x128xf32, #tpu.memory_space<vmem_shared>>
      %dma_wait3A_333 = arith.constant 0 : i32
      %dma_wait3A_334 = tpu.memref_slice %arg10[%mul3A_327, %dma_wait3A_333] : memref<10000x128xf32, #tpu.memory_space<vmem_shared>> -> memref<80x128xf32, #tpu.memory_space<vmem_shared>>
      %dma_wait3A_335 = arith.constant 0 : i32
      %dma_wait3A_336 = arith.constant 0 : i32
      %dma_wait3A_337 = tpu.memref_slice %arg9[%dma_wait3A_335, %dma_wait3A_336] : memref<80x128xf32, #tpu.memory_space<vmem>> -> memref<80x128xf32, #tpu.memory_space<vmem>>
      tpu.wait_dma2 semaphore(%arg12 : memref<!tpu.dma_semaphore, #tpu.memory_space<semaphore_mem>>) src(%dma_wait3A_337 : memref<80x128xf32, #tpu.memory_space<vmem>>) dst(%dma_wait3A_334 : memref<80x128xf32, #tpu.memory_space<vmem_shared>>)
    } else {
    }
    %dma_wait3A_138 = arith.constant 0 : i32
    %dma_wait3A_139 = arith.constant 0 : i32
    %dma_wait3A_140 = tpu.memref_slice %arg4[%add3A, %dma_wait3A_138, %dma_wait3A_139] : memref<32x125x80xi32, #tpu.memory_space<hbm>> -> memref<1x125x80xi32, #tpu.memory_space<hbm>>
    %dma_wait3A_141 = tpu.memref_squeeze %dma_wait3A_140 : memref<1x125x80xi32, #tpu.memory_space<hbm>> -> memref<125x80xi32, #tpu.memory_space<hbm>>
    %dma_wait3A_142 = arith.constant 0 : i32
    %dma_wait3A_143 = arith.constant 0 : i32
    %dma_wait3A_144 = tpu.memref_slice %arg4[%add3A, %dma_wait3A_142, %dma_wait3A_143] : memref<32x125x80xi32, #tpu.memory_space<hbm>> -> memref<1x125x80xi32, #tpu.memory_space<hbm>>
    %dma_wait3A_145 = tpu.memref_squeeze %dma_wait3A_144 : memref<1x125x80xi32, #tpu.memory_space<hbm>> -> memref<125x80xi32, #tpu.memory_space<hbm>>
    tpu.wait_dma2 semaphore(%arg14 : memref<!tpu.dma_semaphore, #tpu.memory_space<semaphore_mem>>) src(%dma_wait3A_145 : memref<125x80xi32, #tpu.memory_space<hbm>>) dst(%arg7 : memref<125x80xi32, #tpu.memory_space<vmem>>)
    %barrier3A = arith.constant 0 : index
    tpu.barrier barrier_id(%barrier3A)
    %scan3A_146 = arith.constant 0 : i32
    %scan3A_147 = arith.constant 0 : i32
    %scan3A_148 = arith.constant 62 : i32
    %scan3A_149 = arith.addi %scan3A_147, %scan3A_148 : i32
    %scan3A_150 = arith.constant 1 : i32
    scf.for %scan3A_326 = %scan3A_147 to %scan3A_149 step %scan3A_150  : i32 {
      %mul3A_327 = arith.constant 2 : i32
      %mul3A_328 = arith.muli %scan3A_326, %mul3A_327 : i32
      %add3A_329 = arith.constant 1 : i32
      %add3A_330 = arith.addi %mul3A_328, %add3A_329 : i32
      %mul3A_331 = arith.constant 80 : i32
      %mul3A_332 = arith.muli %add3A_330, %mul3A_331 : i32
      %dma_start3A_333 = tpu.memref_slice %arg6[%mul3A_332] : memref<10000xi32, #tpu.memory_space<vmem>> -> memref<80xi32, #tpu.memory_space<vmem>>
      %dma_start3A_334 = arith.constant 0 : i32
      %dma_start3A_335 = arith.constant 0 : i32
      %dma_start3A_336 = tpu.memref_slice %arg2[%dma_start3A_334, %dma_start3A_335] : memref<10000x128xf32, #tpu.memory_space<hbm>> -> memref<10000x128xf32, #tpu.memory_space<hbm>>
      tpu.enqueue_indirect_dma source(%dma_start3A_336 : memref<10000x128xf32, #tpu.memory_space<hbm>>) target(%arg9 : memref<80x128xf32, #tpu.memory_space<vmem>>) offsets(%dma_start3A_333 : memref<80xi32, #tpu.memory_space<vmem>>) semaphore(%arg12 : memref<!tpu.dma_semaphore, #tpu.memory_space<semaphore_mem>>)
      %mul3A_337 = arith.constant 80 : i32
      %mul3A_338 = arith.muli %mul3A_328, %mul3A_337 : i32
      %dma_wait3A_339 = tpu.memref_slice %arg6[%mul3A_338] : memref<10000xi32, #tpu.memory_space<vmem>> -> memref<80xi32, #tpu.memory_space<vmem>>
      %dma_wait3A_340 = arith.constant 0 : i32
      %dma_wait3A_341 = arith.constant 0 : i32
      %dma_wait3A_342 = tpu.memref_slice %arg2[%dma_wait3A_340, %dma_wait3A_341] : memref<10000x128xf32, #tpu.memory_space<hbm>> -> memref<10000x128xf32, #tpu.memory_space<hbm>>
      tpu.wait_indirect_dma semaphore(%arg11 : memref<!tpu.dma_semaphore, #tpu.memory_space<semaphore_mem>>) src(%dma_wait3A_342 : memref<10000x128xf32, #tpu.memory_space<hbm>>) dst(%arg8 : memref<80x128xf32, #tpu.memory_space<vmem>>)
      "tpu.region"() ({
        %run_scoped3A_359 = tpu.sem_alloc : memref<!tpu.dma_semaphore, #tpu.memory_space<semaphore_mem>>
        %dma_start3A_360 = arith.constant 0 : i32
        %dma_start3A_361 = tpu.memref_slice %arg7[%mul3A_328, %dma_start3A_360] : memref<125x80xi32, #tpu.memory_space<vmem>> -> memref<1x80xi32, #tpu.memory_space<vmem>>
        %dma_start3A_362 = tpu.memref_squeeze %dma_start3A_361 : memref<1x80xi32, #tpu.memory_space<vmem>> -> memref<80xi32, #tpu.memory_space<vmem>>
        %dma_start3A_363 = arith.constant 0 : i32
        %dma_start3A_364 = arith.constant 0 : i32
        %dma_start3A_365 = tpu.memref_slice %arg10[%dma_start3A_363, %dma_start3A_364] : memref<10000x128xf32, #tpu.memory_space<vmem_shared>> -> memref<10000x128xf32, #tpu.memory_space<vmem_shared>>
        tpu.enqueue_indirect_dma source(%arg8 : memref<80x128xf32, #tpu.memory_space<vmem>>) target(%dma_start3A_365 : memref<10000x128xf32, #tpu.memory_space<vmem_shared>>) offsets(%dma_start3A_362 : memref<80xi32, #tpu.memory_space<vmem>>) semaphore(%run_scoped3A_359 : memref<!tpu.dma_semaphore, #tpu.memory_space<semaphore_mem>>) {add = true}
        %dma_wait3A_366 = arith.constant 0 : i32
        %dma_wait3A_367 = tpu.memref_slice %arg7[%mul3A_328, %dma_wait3A_366] : memref<125x80xi32, #tpu.memory_space<vmem>> -> memref<1x80xi32, #tpu.memory_space<vmem>>
        %dma_wait3A_368 = tpu.memref_squeeze %dma_wait3A_367 : memref<1x80xi32, #tpu.memory_space<vmem>> -> memref<80xi32, #tpu.memory_space<vmem>>
        %dma_wait3A_369 = arith.constant 0 : i32
        %dma_wait3A_370 = arith.constant 0 : i32
        %dma_wait3A_371 = tpu.memref_slice %arg10[%dma_wait3A_369, %dma_wait3A_370] : memref<10000x128xf32, #tpu.memory_space<vmem_shared>> -> memref<10000x128xf32, #tpu.memory_space<vmem_shared>>
        tpu.wait_indirect_dma semaphore(%run_scoped3A_359 : memref<!tpu.dma_semaphore, #tpu.memory_space<semaphore_mem>>) src(%arg8 : memref<80x128xf32, #tpu.memory_space<vmem>>) dst(%dma_wait3A_371 : memref<10000x128xf32, #tpu.memory_space<vmem_shared>>)
        tpu.yield
      }) : () -> ()
      %add3A_343 = arith.constant 2 : i32
      %add3A_344 = arith.addi %mul3A_328, %add3A_343 : i32
      %mul3A_345 = arith.constant 80 : i32
      %mul3A_346 = arith.muli %add3A_344, %mul3A_345 : i32
      %dma_start3A_347 = tpu.memref_slice %arg6[%mul3A_346] : memref<10000xi32, #tpu.memory_space<vmem>> -> memref<80xi32, #tpu.memory_space<vmem>>
      %dma_start3A_348 = arith.constant 0 : i32
      %dma_start3A_349 = arith.constant 0 : i32
      %dma_start3A_350 = tpu.memref_slice %arg2[%dma_start3A_348, %dma_start3A_349] : memref<10000x128xf32, #tpu.memory_space<hbm>> -> memref<10000x128xf32, #tpu.memory_space<hbm>>
      tpu.enqueue_indirect_dma source(%dma_start3A_350 : memref<10000x128xf32, #tpu.memory_space<hbm>>) target(%arg8 : memref<80x128xf32, #tpu.memory_space<vmem>>) offsets(%dma_start3A_347 : memref<80xi32, #tpu.memory_space<vmem>>) semaphore(%arg11 : memref<!tpu.dma_semaphore, #tpu.memory_space<semaphore_mem>>)
      %add3A_351 = arith.constant 1 : i32
      %add3A_352 = arith.addi %mul3A_328, %add3A_351 : i32
      %mul3A_353 = arith.constant 80 : i32
      %mul3A_354 = arith.muli %add3A_352, %mul3A_353 : i32
      %dma_wait3A_355 = tpu.memref_slice %arg6[%mul3A_354] : memref<10000xi32, #tpu.memory_space<vmem>> -> memref<80xi32, #tpu.memory_space<vmem>>
      %dma_wait3A_356 = arith.constant 0 : i32
      %dma_wait3A_357 = arith.constant 0 : i32
      %dma_wait3A_358 = tpu.memref_slice %arg2[%dma_wait3A_356, %dma_wait3A_357] : memref<10000x128xf32, #tpu.memory_space<hbm>> -> memref<10000x128xf32, #tpu.memory_space<hbm>>
      tpu.wait_indirect_dma semaphore(%arg12 : memref<!tpu.dma_semaphore, #tpu.memory_space<semaphore_mem>>) src(%dma_wait3A_358 : memref<10000x128xf32, #tpu.memory_space<hbm>>) dst(%arg9 : memref<80x128xf32, #tpu.memory_space<vmem>>)
      "tpu.region"() ({
        %run_scoped3A_359 = tpu.sem_alloc : memref<!tpu.dma_semaphore, #tpu.memory_space<semaphore_mem>>
        %dma_start3A_360 = arith.constant 0 : i32
        %dma_start3A_361 = tpu.memref_slice %arg7[%add3A_352, %dma_start3A_360] : memref<125x80xi32, #tpu.memory_space<vmem>> -> memref<1x80xi32, #tpu.memory_space<vmem>>
        %dma_start3A_362 = tpu.memref_squeeze %dma_start3A_361 : memref<1x80xi32, #tpu.memory_space<vmem>> -> memref<80xi32, #tpu.memory_space<vmem>>
        %dma_start3A_363 = arith.constant 0 : i32
        %dma_start3A_364 = arith.constant 0 : i32
        %dma_start3A_365 = tpu.memref_slice %arg10[%dma_start3A_363, %dma_start3A_364] : memref<10000x128xf32, #tpu.memory_space<vmem_shared>> -> memref<10000x128xf32, #tpu.memory_space<vmem_shared>>
        tpu.enqueue_indirect_dma source(%arg9 : memref<80x128xf32, #tpu.memory_space<vmem>>) target(%dma_start3A_365 : memref<10000x128xf32, #tpu.memory_space<vmem_shared>>) offsets(%dma_start3A_362 : memref<80xi32, #tpu.memory_space<vmem>>) semaphore(%run_scoped3A_359 : memref<!tpu.dma_semaphore, #tpu.memory_space<semaphore_mem>>) {add = true}
        %dma_wait3A_366 = arith.constant 0 : i32
        %dma_wait3A_367 = tpu.memref_slice %arg7[%add3A_352, %dma_wait3A_366] : memref<125x80xi32, #tpu.memory_space<vmem>> -> memref<1x80xi32, #tpu.memory_space<vmem>>
        %dma_wait3A_368 = tpu.memref_squeeze %dma_wait3A_367 : memref<1x80xi32, #tpu.memory_space<vmem>> -> memref<80xi32, #tpu.memory_space<vmem>>
        %dma_wait3A_369 = arith.constant 0 : i32
        %dma_wait3A_370 = arith.constant 0 : i32
        %dma_wait3A_371 = tpu.memref_slice %arg10[%dma_wait3A_369, %dma_wait3A_370] : memref<10000x128xf32, #tpu.memory_space<vmem_shared>> -> memref<10000x128xf32, #tpu.memory_space<vmem_shared>>
        tpu.wait_indirect_dma semaphore(%run_scoped3A_359 : memref<!tpu.dma_semaphore, #tpu.memory_space<semaphore_mem>>) src(%arg9 : memref<80x128xf32, #tpu.memory_space<vmem>>) dst(%dma_wait3A_371 : memref<10000x128xf32, #tpu.memory_space<vmem_shared>>)
        tpu.yield
      }) : () -> ()
    }
    %scan3A_151 = arith.constant 62 : i32
    %dma_wait3A_152 = arith.constant 9920 : i32
    %dma_wait3A_153 = tpu.memref_slice %arg6[%dma_wait3A_152] : memref<10000xi32, #tpu.memory_space<vmem>> -> memref<80xi32, #tpu.memory_space<vmem>>
    %dma_wait3A_154 = arith.constant 0 : i32
    %dma_wait3A_155 = arith.constant 0 : i32
    %dma_wait3A_156 = tpu.memref_slice %arg2[%dma_wait3A_154, %dma_wait3A_155] : memref<10000x128xf32, #tpu.memory_space<hbm>> -> memref<10000x128xf32, #tpu.memory_space<hbm>>
    tpu.wait_indirect_dma semaphore(%arg11 : memref<!tpu.dma_semaphore, #tpu.memory_space<semaphore_mem>>) src(%dma_wait3A_156 : memref<10000x128xf32, #tpu.memory_space<hbm>>) dst(%arg8 : memref<80x128xf32, #tpu.memory_space<vmem>>)
    %run_scoped3A = arith.constant 124 : i32
    "tpu.region"() ({
      %run_scoped3A_326 = tpu.sem_alloc : memref<!tpu.dma_semaphore, #tpu.memory_space<semaphore_mem>>
      %dma_start3A_327 = arith.constant 0 : i32
      %dma_start3A_328 = tpu.memref_slice %arg7[%run_scoped3A, %dma_start3A_327] : memref<125x80xi32, #tpu.memory_space<vmem>> -> memref<1x80xi32, #tpu.memory_space<vmem>>
      %dma_start3A_329 = tpu.memref_squeeze %dma_start3A_328 : memref<1x80xi32, #tpu.memory_space<vmem>> -> memref<80xi32, #tpu.memory_space<vmem>>
      %dma_start3A_330 = arith.constant 0 : i32
      %dma_start3A_331 = arith.constant 0 : i32
      %dma_start3A_332 = tpu.memref_slice %arg10[%dma_start3A_330, %dma_start3A_331] : memref<10000x128xf32, #tpu.memory_space<vmem_shared>> -> memref<10000x128xf32, #tpu.memory_space<vmem_shared>>
      tpu.enqueue_indirect_dma source(%arg8 : memref<80x128xf32, #tpu.memory_space<vmem>>) target(%dma_start3A_332 : memref<10000x128xf32, #tpu.memory_space<vmem_shared>>) offsets(%dma_start3A_329 : memref<80xi32, #tpu.memory_space<vmem>>) semaphore(%run_scoped3A_326 : memref<!tpu.dma_semaphore, #tpu.memory_space<semaphore_mem>>) {add = true}
      %dma_wait3A_333 = arith.constant 0 : i32
      %dma_wait3A_334 = tpu.memref_slice %arg7[%run_scoped3A, %dma_wait3A_333] : memref<125x80xi32, #tpu.memory_space<vmem>> -> memref<1x80xi32, #tpu.memory_space<vmem>>
      %dma_wait3A_335 = tpu.memref_squeeze %dma_wait3A_334 : memref<1x80xi32, #tpu.memory_space<vmem>> -> memref<80xi32, #tpu.memory_space<vmem>>
      %dma_wait3A_336 = arith.constant 0 : i32
      %dma_wait3A_337 = arith.constant 0 : i32
      %dma_wait3A_338 = tpu.memref_slice %arg10[%dma_wait3A_336, %dma_wait3A_337] : memref<10000x128xf32, #tpu.memory_space<vmem_shared>> -> memref<10000x128xf32, #tpu.memory_space<vmem_shared>>
      tpu.wait_indirect_dma semaphore(%run_scoped3A_326 : memref<!tpu.dma_semaphore, #tpu.memory_space<semaphore_mem>>) src(%arg8 : memref<80x128xf32, #tpu.memory_space<vmem>>) dst(%dma_wait3A_338 : memref<10000x128xf32, #tpu.memory_space<vmem_shared>>)
      tpu.yield
    }) : () -> ()
    %barrier3A_157 = arith.constant 0 : index
    tpu.barrier barrier_id(%barrier3A_157)
    %add3A_158 = arith.constant 0 : i32
    %add3A_159 = arith.addi %add3A_158, %arg1 : i32
    %lt3A_160 = arith.constant 125 : i32
    %lt3A_161 = arith.cmpi slt, %add3A_159, %lt3A_160 : i32
    %convert_element_type3A_162 = arith.extui %lt3A_161 : i1 to i32
    %cond3A_163 = arith.constant 0 : i32
    %cond3A_164 = arith.cmpi ne, %convert_element_type3A_162, %cond3A_163 : i32
    scf.if %cond3A_164 {
      %mul3A_326 = arith.constant 80 : i32
      %mul3A_327 = arith.muli %add3A_159, %mul3A_326 : i32
      %dma_start3A_328 = arith.constant 0 : i32
      %dma_start3A_329 = arith.constant 0 : i32
      %dma_start3A_330 = tpu.memref_slice %arg8[%dma_start3A_328, %dma_start3A_329] : memref<80x128xf32, #tpu.memory_space<vmem>> -> memref<80x128xf32, #tpu.memory_space<vmem>>
      %dma_start3A_331 = arith.constant 0 : i32
      %dma_start3A_332 = tpu.memref_slice %arg10[%mul3A_327, %dma_start3A_331] : memref<10000x128xf32, #tpu.memory_space<vmem_shared>> -> memref<80x128xf32, #tpu.memory_space<vmem_shared>>
      %dma_start3A_333 = arith.constant 0 : i32
      %dma_start3A_334 = arith.constant 0 : i32
      %dma_start3A_335 = tpu.memref_slice %arg8[%dma_start3A_333, %dma_start3A_334] : memref<80x128xf32, #tpu.memory_space<vmem>> -> memref<80x128xf32, #tpu.memory_space<vmem>>
      %dma_start3A_336 = arith.constant 0 : i32
      %dma_start3A_337 = tpu.memref_slice %arg10[%mul3A_327, %dma_start3A_336] : memref<10000x128xf32, #tpu.memory_space<vmem_shared>> -> memref<80x128xf32, #tpu.memory_space<vmem_shared>>
      tpu.enqueue_dma source(%dma_start3A_337 : memref<80x128xf32, #tpu.memory_space<vmem_shared>>) target(%dma_start3A_335 : memref<80x128xf32, #tpu.memory_space<vmem>>) target_semaphore(%arg11 : memref<!tpu.dma_semaphore, #tpu.memory_space<semaphore_mem>>)
    } else {
    }
    %add3A_165 = arith.constant 16 : i32
    %add3A_166 = arith.addi %add3A_165, %arg1 : i32
    %lt3A_167 = arith.constant 125 : i32
    %lt3A_168 = arith.cmpi slt, %add3A_166, %lt3A_167 : i32
    %convert_element_type3A_169 = arith.extui %lt3A_168 : i1 to i32
    %cond3A_170 = arith.constant 0 : i32
    %cond3A_171 = arith.cmpi ne, %convert_element_type3A_169, %cond3A_170 : i32
    scf.if %cond3A_171 {
      %mul3A_326 = arith.constant 80 : i32
      %mul3A_327 = arith.muli %add3A_166, %mul3A_326 : i32
      %dma_start3A_328 = arith.constant 0 : i32
      %dma_start3A_329 = arith.constant 0 : i32
      %dma_start3A_330 = tpu.memref_slice %arg9[%dma_start3A_328, %dma_start3A_329] : memref<80x128xf32, #tpu.memory_space<vmem>> -> memref<80x128xf32, #tpu.memory_space<vmem>>
      %dma_start3A_331 = arith.constant 0 : i32
      %dma_start3A_332 = tpu.memref_slice %arg10[%mul3A_327, %dma_start3A_331] : memref<10000x128xf32, #tpu.memory_space<vmem_shared>> -> memref<80x128xf32, #tpu.memory_space<vmem_shared>>
      %dma_start3A_333 = arith.constant 0 : i32
      %dma_start3A_334 = arith.constant 0 : i32
      %dma_start3A_335 = tpu.memref_slice %arg9[%dma_start3A_333, %dma_start3A_334] : memref<80x128xf32, #tpu.memory_space<vmem>> -> memref<80x128xf32, #tpu.memory_space<vmem>>
      %dma_start3A_336 = arith.constant 0 : i32
      %dma_start3A_337 = tpu.memref_slice %arg10[%mul3A_327, %dma_start3A_336] : memref<10000x128xf32, #tpu.memory_space<vmem_shared>> -> memref<80x128xf32, #tpu.memory_space<vmem_shared>>
      tpu.enqueue_dma source(%dma_start3A_337 : memref<80x128xf32, #tpu.memory_space<vmem_shared>>) target(%dma_start3A_335 : memref<80x128xf32, #tpu.memory_space<vmem>>) target_semaphore(%arg12 : memref<!tpu.dma_semaphore, #tpu.memory_space<semaphore_mem>>)
    } else {
    }
    %add3A_172 = arith.constant 0 : i32
    %add3A_173 = arith.addi %add3A_172, %arg1 : i32
    %lt3A_174 = arith.constant 125 : i32
    %lt3A_175 = arith.cmpi slt, %add3A_173, %lt3A_174 : i32
    %convert_element_type3A_176 = arith.extui %lt3A_175 : i1 to i32
    %cond3A_177 = arith.constant 0 : i32
    %cond3A_178 = arith.cmpi ne, %convert_element_type3A_176, %cond3A_177 : i32
    scf.if %cond3A_178 {
      %mul3A_326 = arith.constant 80 : i32
      %mul3A_327 = arith.muli %add3A_173, %mul3A_326 : i32
      %dma_wait3A_328 = arith.constant 0 : i32
      %dma_wait3A_329 = arith.constant 0 : i32
      %dma_wait3A_330 = tpu.memref_slice %arg8[%dma_wait3A_328, %dma_wait3A_329] : memref<80x128xf32, #tpu.memory_space<vmem>> -> memref<80x128xf32, #tpu.memory_space<vmem>>
      %dma_wait3A_331 = arith.constant 0 : i32
      %dma_wait3A_332 = tpu.memref_slice %arg10[%mul3A_327, %dma_wait3A_331] : memref<10000x128xf32, #tpu.memory_space<vmem_shared>> -> memref<80x128xf32, #tpu.memory_space<vmem_shared>>
      %dma_wait3A_333 = arith.constant 0 : i32
      %dma_wait3A_334 = arith.constant 0 : i32
      %dma_wait3A_335 = tpu.memref_slice %arg8[%dma_wait3A_333, %dma_wait3A_334] : memref<80x128xf32, #tpu.memory_space<vmem>> -> memref<80x128xf32, #tpu.memory_space<vmem>>
      %dma_wait3A_336 = arith.constant 0 : i32
      %dma_wait3A_337 = tpu.memref_slice %arg10[%mul3A_327, %dma_wait3A_336] : memref<10000x128xf32, #tpu.memory_space<vmem_shared>> -> memref<80x128xf32, #tpu.memory_space<vmem_shared>>
      tpu.wait_dma2 semaphore(%arg11 : memref<!tpu.dma_semaphore, #tpu.memory_space<semaphore_mem>>) src(%dma_wait3A_337 : memref<80x128xf32, #tpu.memory_space<vmem_shared>>) dst(%dma_wait3A_335 : memref<80x128xf32, #tpu.memory_space<vmem>>)
      %mul3A_338 = arith.constant 10000 : i32
      %mul3A_339 = arith.muli %arg0, %mul3A_338 : i32
      %add3A_340 = arith.addi %mul3A_339, %mul3A_327 : i32
      %dma_start3A_341 = arith.constant 0 : i32
      %dma_start3A_342 = arith.constant 0 : i32
      %dma_start3A_343 = tpu.memref_slice %arg8[%dma_start3A_341, %dma_start3A_342] : memref<80x128xf32, #tpu.memory_space<vmem>> -> memref<80x128xf32, #tpu.memory_space<vmem>>
      %dma_start3A_344 = arith.constant 0 : i32
      %dma_start3A_345 = tpu.memref_slice %arg5[%add3A_340, %dma_start3A_344] : memref<20000x128xf32, #tpu.memory_space<hbm>> -> memref<80x128xf32, #tpu.memory_space<hbm>>
      %dma_start3A_346 = arith.constant 0 : i32
      %dma_start3A_347 = tpu.memref_slice %arg5[%add3A_340, %dma_start3A_346] : memref<20000x128xf32, #tpu.memory_space<hbm>> -> memref<80x128xf32, #tpu.memory_space<hbm>>
      %dma_start3A_348 = arith.constant 0 : i32
      %dma_start3A_349 = arith.constant 0 : i32
      %dma_start3A_350 = tpu.memref_slice %arg8[%dma_start3A_348, %dma_start3A_349] : memref<80x128xf32, #tpu.memory_space<vmem>> -> memref<80x128xf32, #tpu.memory_space<vmem>>
      tpu.enqueue_dma source(%dma_start3A_350 : memref<80x128xf32, #tpu.memory_space<vmem>>) target(%dma_start3A_347 : memref<80x128xf32, #tpu.memory_space<hbm>>) target_semaphore(%arg13 : memref<!tpu.dma_semaphore, #tpu.memory_space<semaphore_mem>>)
    } else {
    }
    %add3A_179 = arith.constant 0 : i32
    %add3A_180 = arith.addi %add3A_179, %arg1 : i32
    %lt3A_181 = arith.constant 125 : i32
    %lt3A_182 = arith.cmpi slt, %add3A_180, %lt3A_181 : i32
    %convert_element_type3A_183 = arith.extui %lt3A_182 : i1 to i32
    %cond3A_184 = arith.constant 0 : i32
    %cond3A_185 = arith.cmpi ne, %convert_element_type3A_183, %cond3A_184 : i32
    scf.if %cond3A_185 {
      %mul3A_326 = arith.constant 10000 : i32
      %mul3A_327 = arith.muli %arg0, %mul3A_326 : i32
      %mul3A_328 = arith.constant 80 : i32
      %mul3A_329 = arith.muli %add3A_180, %mul3A_328 : i32
      %add3A_330 = arith.addi %mul3A_327, %mul3A_329 : i32
      %dma_wait3A_331 = arith.constant 0 : i32
      %dma_wait3A_332 = arith.constant 0 : i32
      %dma_wait3A_333 = tpu.memref_slice %arg8[%dma_wait3A_331, %dma_wait3A_332] : memref<80x128xf32, #tpu.memory_space<vmem>> -> memref<80x128xf32, #tpu.memory_space<vmem>>
      %dma_wait3A_334 = arith.constant 0 : i32
      %dma_wait3A_335 = tpu.memref_slice %arg5[%add3A_330, %dma_wait3A_334] : memref<20000x128xf32, #tpu.memory_space<hbm>> -> memref<80x128xf32, #tpu.memory_space<hbm>>
      %dma_wait3A_336 = arith.constant 0 : i32
      %dma_wait3A_337 = tpu.memref_slice %arg5[%add3A_330, %dma_wait3A_336] : memref<20000x128xf32, #tpu.memory_space<hbm>> -> memref<80x128xf32, #tpu.memory_space<hbm>>
      %dma_wait3A_338 = arith.constant 0 : i32
      %dma_wait3A_339 = arith.constant 0 : i32
      %dma_wait3A_340 = tpu.memref_slice %arg8[%dma_wait3A_338, %dma_wait3A_339] : memref<80x128xf32, #tpu.memory_space<vmem>> -> memref<80x128xf32, #tpu.memory_space<vmem>>
      tpu.wait_dma2 semaphore(%arg13 : memref<!tpu.dma_semaphore, #tpu.memory_space<semaphore_mem>>) src(%dma_wait3A_340 : memref<80x128xf32, #tpu.memory_space<vmem>>) dst(%dma_wait3A_337 : memref<80x128xf32, #tpu.memory_space<hbm>>)
    } else {
    }
    %add3A_186 = arith.constant 32 : i32
    %add3A_187 = arith.addi %add3A_186, %arg1 : i32
    %lt3A_188 = arith.constant 125 : i32
    %lt3A_189 = arith.cmpi slt, %add3A_187, %lt3A_188 : i32
    %convert_element_type3A_190 = arith.extui %lt3A_189 : i1 to i32
    %cond3A_191 = arith.constant 0 : i32
    %cond3A_192 = arith.cmpi ne, %convert_element_type3A_190, %cond3A_191 : i32
    scf.if %cond3A_192 {
      %mul3A_326 = arith.constant 80 : i32
      %mul3A_327 = arith.muli %add3A_187, %mul3A_326 : i32
      %dma_start3A_328 = arith.constant 0 : i32
      %dma_start3A_329 = arith.constant 0 : i32
      %dma_start3A_330 = tpu.memref_slice %arg8[%dma_start3A_328, %dma_start3A_329] : memref<80x128xf32, #tpu.memory_space<vmem>> -> memref<80x128xf32, #tpu.memory_space<vmem>>
      %dma_start3A_331 = arith.constant 0 : i32
      %dma_start3A_332 = tpu.memref_slice %arg10[%mul3A_327, %dma_start3A_331] : memref<10000x128xf32, #tpu.memory_space<vmem_shared>> -> memref<80x128xf32, #tpu.memory_space<vmem_shared>>
      %dma_start3A_333 = arith.constant 0 : i32
      %dma_start3A_334 = arith.constant 0 : i32
      %dma_start3A_335 = tpu.memref_slice %arg8[%dma_start3A_333, %dma_start3A_334] : memref<80x128xf32, #tpu.memory_space<vmem>> -> memref<80x128xf32, #tpu.memory_space<vmem>>
      %dma_start3A_336 = arith.constant 0 : i32
      %dma_start3A_337 = tpu.memref_slice %arg10[%mul3A_327, %dma_start3A_336] : memref<10000x128xf32, #tpu.memory_space<vmem_shared>> -> memref<80x128xf32, #tpu.memory_space<vmem_shared>>
      tpu.enqueue_dma source(%dma_start3A_337 : memref<80x128xf32, #tpu.memory_space<vmem_shared>>) target(%dma_start3A_335 : memref<80x128xf32, #tpu.memory_space<vmem>>) target_semaphore(%arg11 : memref<!tpu.dma_semaphore, #tpu.memory_space<semaphore_mem>>)
    } else {
    }
    %add3A_193 = arith.constant 16 : i32
    %add3A_194 = arith.addi %add3A_193, %arg1 : i32
    %lt3A_195 = arith.constant 125 : i32
    %lt3A_196 = arith.cmpi slt, %add3A_194, %lt3A_195 : i32
    %convert_element_type3A_197 = arith.extui %lt3A_196 : i1 to i32
    %cond3A_198 = arith.constant 0 : i32
    %cond3A_199 = arith.cmpi ne, %convert_element_type3A_197, %cond3A_198 : i32
    scf.if %cond3A_199 {
      %mul3A_326 = arith.constant 80 : i32
      %mul3A_327 = arith.muli %add3A_194, %mul3A_326 : i32
      %dma_wait3A_328 = arith.constant 0 : i32
      %dma_wait3A_329 = arith.constant 0 : i32
      %dma_wait3A_330 = tpu.memref_slice %arg9[%dma_wait3A_328, %dma_wait3A_329] : memref<80x128xf32, #tpu.memory_space<vmem>> -> memref<80x128xf32, #tpu.memory_space<vmem>>
      %dma_wait3A_331 = arith.constant 0 : i32
      %dma_wait3A_332 = tpu.memref_slice %arg10[%mul3A_327, %dma_wait3A_331] : memref<10000x128xf32, #tpu.memory_space<vmem_shared>> -> memref<80x128xf32, #tpu.memory_space<vmem_shared>>
      %dma_wait3A_333 = arith.constant 0 : i32
      %dma_wait3A_334 = arith.constant 0 : i32
      %dma_wait3A_335 = tpu.memref_slice %arg9[%dma_wait3A_333, %dma_wait3A_334] : memref<80x128xf32, #tpu.memory_space<vmem>> -> memref<80x128xf32, #tpu.memory_space<vmem>>
      %dma_wait3A_336 = arith.constant 0 : i32
      %dma_wait3A_337 = tpu.memref_slice %arg10[%mul3A_327, %dma_wait3A_336] : memref<10000x128xf32, #tpu.memory_space<vmem_shared>> -> memref<80x128xf32, #tpu.memory_space<vmem_shared>>
      tpu.wait_dma2 semaphore(%arg12 : memref<!tpu.dma_semaphore, #tpu.memory_space<semaphore_mem>>) src(%dma_wait3A_337 : memref<80x128xf32, #tpu.memory_space<vmem_shared>>) dst(%dma_wait3A_335 : memref<80x128xf32, #tpu.memory_space<vmem>>)
      %mul3A_338 = arith.constant 10000 : i32
      %mul3A_339 = arith.muli %arg0, %mul3A_338 : i32
      %add3A_340 = arith.addi %mul3A_339, %mul3A_327 : i32
      %dma_start3A_341 = arith.constant 0 : i32
      %dma_start3A_342 = arith.constant 0 : i32
      %dma_start3A_343 = tpu.memref_slice %arg9[%dma_start3A_341, %dma_start3A_342] : memref<80x128xf32, #tpu.memory_space<vmem>> -> memref<80x128xf32, #tpu.memory_space<vmem>>
      %dma_start3A_344 = arith.constant 0 : i32
      %dma_start3A_345 = tpu.memref_slice %arg5[%add3A_340, %dma_start3A_344] : memref<20000x128xf32, #tpu.memory_space<hbm>> -> memref<80x128xf32, #tpu.memory_space<hbm>>
      %dma_start3A_346 = arith.constant 0 : i32
      %dma_start3A_347 = tpu.memref_slice %arg5[%add3A_340, %dma_start3A_346] : memref<20000x128xf32, #tpu.memory_space<hbm>> -> memref<80x128xf32, #tpu.memory_space<hbm>>
      %dma_start3A_348 = arith.constant 0 : i32
      %dma_start3A_349 = arith.constant 0 : i32
      %dma_start3A_350 = tpu.memref_slice %arg9[%dma_start3A_348, %dma_start3A_349] : memref<80x128xf32, #tpu.memory_space<vmem>> -> memref<80x128xf32, #tpu.memory_space<vmem>>
      tpu.enqueue_dma source(%dma_start3A_350 : memref<80x128xf32, #tpu.memory_space<vmem>>) target(%dma_start3A_347 : memref<80x128xf32, #tpu.memory_space<hbm>>) target_semaphore(%arg14 : memref<!tpu.dma_semaphore, #tpu.memory_space<semaphore_mem>>)
    } else {
    }
    %add3A_200 = arith.constant 16 : i32
    %add3A_201 = arith.addi %add3A_200, %arg1 : i32
    %lt3A_202 = arith.constant 125 : i32
    %lt3A_203 = arith.cmpi slt, %add3A_201, %lt3A_202 : i32
    %convert_element_type3A_204 = arith.extui %lt3A_203 : i1 to i32
    %cond3A_205 = arith.constant 0 : i32
    %cond3A_206 = arith.cmpi ne, %convert_element_type3A_204, %cond3A_205 : i32
    scf.if %cond3A_206 {
      %mul3A_326 = arith.constant 10000 : i32
      %mul3A_327 = arith.muli %arg0, %mul3A_326 : i32
      %mul3A_328 = arith.constant 80 : i32
      %mul3A_329 = arith.muli %add3A_201, %mul3A_328 : i32
      %add3A_330 = arith.addi %mul3A_327, %mul3A_329 : i32
      %dma_wait3A_331 = arith.constant 0 : i32
      %dma_wait3A_332 = arith.constant 0 : i32
      %dma_wait3A_333 = tpu.memref_slice %arg9[%dma_wait3A_331, %dma_wait3A_332] : memref<80x128xf32, #tpu.memory_space<vmem>> -> memref<80x128xf32, #tpu.memory_space<vmem>>
      %dma_wait3A_334 = arith.constant 0 : i32
      %dma_wait3A_335 = tpu.memref_slice %arg5[%add3A_330, %dma_wait3A_334] : memref<20000x128xf32, #tpu.memory_space<hbm>> -> memref<80x128xf32, #tpu.memory_space<hbm>>
      %dma_wait3A_336 = arith.constant 0 : i32
      %dma_wait3A_337 = tpu.memref_slice %arg5[%add3A_330, %dma_wait3A_336] : memref<20000x128xf32, #tpu.memory_space<hbm>> -> memref<80x128xf32, #tpu.memory_space<hbm>>
      %dma_wait3A_338 = arith.constant 0 : i32
      %dma_wait3A_339 = arith.constant 0 : i32
      %dma_wait3A_340 = tpu.memref_slice %arg9[%dma_wait3A_338, %dma_wait3A_339] : memref<80x128xf32, #tpu.memory_space<vmem>> -> memref<80x128xf32, #tpu.memory_space<vmem>>
      tpu.wait_dma2 semaphore(%arg14 : memref<!tpu.dma_semaphore, #tpu.memory_space<semaphore_mem>>) src(%dma_wait3A_340 : memref<80x128xf32, #tpu.memory_space<vmem>>) dst(%dma_wait3A_337 : memref<80x128xf32, #tpu.memory_space<hbm>>)
    } else {
    }
    %add3A_207 = arith.constant 48 : i32
    %add3A_208 = arith.addi %add3A_207, %arg1 : i32
    %lt3A_209 = arith.constant 125 : i32
    %lt3A_210 = arith.cmpi slt, %add3A_208, %lt3A_209 : i32
    %convert_element_type3A_211 = arith.extui %lt3A_210 : i1 to i32
    %cond3A_212 = arith.constant 0 : i32
    %cond3A_213 = arith.cmpi ne, %convert_element_type3A_211, %cond3A_212 : i32
    scf.if %cond3A_213 {
      %mul3A_326 = arith.constant 80 : i32
      %mul3A_327 = arith.muli %add3A_208, %mul3A_326 : i32
      %dma_start3A_328 = arith.constant 0 : i32
      %dma_start3A_329 = arith.constant 0 : i32
      %dma_start3A_330 = tpu.memref_slice %arg9[%dma_start3A_328, %dma_start3A_329] : memref<80x128xf32, #tpu.memory_space<vmem>> -> memref<80x128xf32, #tpu.memory_space<vmem>>
      %dma_start3A_331 = arith.constant 0 : i32
      %dma_start3A_332 = tpu.memref_slice %arg10[%mul3A_327, %dma_start3A_331] : memref<10000x128xf32, #tpu.memory_space<vmem_shared>> -> memref<80x128xf32, #tpu.memory_space<vmem_shared>>
      %dma_start3A_333 = arith.constant 0 : i32
      %dma_start3A_334 = arith.constant 0 : i32
      %dma_start3A_335 = tpu.memref_slice %arg9[%dma_start3A_333, %dma_start3A_334] : memref<80x128xf32, #tpu.memory_space<vmem>> -> memref<80x128xf32, #tpu.memory_space<vmem>>
      %dma_start3A_336 = arith.constant 0 : i32
      %dma_start3A_337 = tpu.memref_slice %arg10[%mul3A_327, %dma_start3A_336] : memref<10000x128xf32, #tpu.memory_space<vmem_shared>> -> memref<80x128xf32, #tpu.memory_space<vmem_shared>>
      tpu.enqueue_dma source(%dma_start3A_337 : memref<80x128xf32, #tpu.memory_space<vmem_shared>>) target(%dma_start3A_335 : memref<80x128xf32, #tpu.memory_space<vmem>>) target_semaphore(%arg12 : memref<!tpu.dma_semaphore, #tpu.memory_space<semaphore_mem>>)
    } else {
    }
    %add3A_214 = arith.constant 32 : i32
    %add3A_215 = arith.addi %add3A_214, %arg1 : i32
    %lt3A_216 = arith.constant 125 : i32
    %lt3A_217 = arith.cmpi slt, %add3A_215, %lt3A_216 : i32
    %convert_element_type3A_218 = arith.extui %lt3A_217 : i1 to i32
    %cond3A_219 = arith.constant 0 : i32
    %cond3A_220 = arith.cmpi ne, %convert_element_type3A_218, %cond3A_219 : i32
    scf.if %cond3A_220 {
      %mul3A_326 = arith.constant 80 : i32
      %mul3A_327 = arith.muli %add3A_215, %mul3A_326 : i32
      %dma_wait3A_328 = arith.constant 0 : i32
      %dma_wait3A_329 = arith.constant 0 : i32
      %dma_wait3A_330 = tpu.memref_slice %arg8[%dma_wait3A_328, %dma_wait3A_329] : memref<80x128xf32, #tpu.memory_space<vmem>> -> memref<80x128xf32, #tpu.memory_space<vmem>>
      %dma_wait3A_331 = arith.constant 0 : i32
      %dma_wait3A_332 = tpu.memref_slice %arg10[%mul3A_327, %dma_wait3A_331] : memref<10000x128xf32, #tpu.memory_space<vmem_shared>> -> memref<80x128xf32, #tpu.memory_space<vmem_shared>>
      %dma_wait3A_333 = arith.constant 0 : i32
      %dma_wait3A_334 = arith.constant 0 : i32
      %dma_wait3A_335 = tpu.memref_slice %arg8[%dma_wait3A_333, %dma_wait3A_334] : memref<80x128xf32, #tpu.memory_space<vmem>> -> memref<80x128xf32, #tpu.memory_space<vmem>>
      %dma_wait3A_336 = arith.constant 0 : i32
      %dma_wait3A_337 = tpu.memref_slice %arg10[%mul3A_327, %dma_wait3A_336] : memref<10000x128xf32, #tpu.memory_space<vmem_shared>> -> memref<80x128xf32, #tpu.memory_space<vmem_shared>>
      tpu.wait_dma2 semaphore(%arg11 : memref<!tpu.dma_semaphore, #tpu.memory_space<semaphore_mem>>) src(%dma_wait3A_337 : memref<80x128xf32, #tpu.memory_space<vmem_shared>>) dst(%dma_wait3A_335 : memref<80x128xf32, #tpu.memory_space<vmem>>)
      %mul3A_338 = arith.constant 10000 : i32
      %mul3A_339 = arith.muli %arg0, %mul3A_338 : i32
      %add3A_340 = arith.addi %mul3A_339, %mul3A_327 : i32
      %dma_start3A_341 = arith.constant 0 : i32
      %dma_start3A_342 = arith.constant 0 : i32
      %dma_start3A_343 = tpu.memref_slice %arg8[%dma_start3A_341, %dma_start3A_342] : memref<80x128xf32, #tpu.memory_space<vmem>> -> memref<80x128xf32, #tpu.memory_space<vmem>>
      %dma_start3A_344 = arith.constant 0 : i32
      %dma_start3A_345 = tpu.memref_slice %arg5[%add3A_340, %dma_start3A_344] : memref<20000x128xf32, #tpu.memory_space<hbm>> -> memref<80x128xf32, #tpu.memory_space<hbm>>
      %dma_start3A_346 = arith.constant 0 : i32
      %dma_start3A_347 = tpu.memref_slice %arg5[%add3A_340, %dma_start3A_346] : memref<20000x128xf32, #tpu.memory_space<hbm>> -> memref<80x128xf32, #tpu.memory_space<hbm>>
      %dma_start3A_348 = arith.constant 0 : i32
      %dma_start3A_349 = arith.constant 0 : i32
      %dma_start3A_350 = tpu.memref_slice %arg8[%dma_start3A_348, %dma_start3A_349] : memref<80x128xf32, #tpu.memory_space<vmem>> -> memref<80x128xf32, #tpu.memory_space<vmem>>
      tpu.enqueue_dma source(%dma_start3A_350 : memref<80x128xf32, #tpu.memory_space<vmem>>) target(%dma_start3A_347 : memref<80x128xf32, #tpu.memory_space<hbm>>) target_semaphore(%arg13 : memref<!tpu.dma_semaphore, #tpu.memory_space<semaphore_mem>>)
    } else {
    }
    %add3A_221 = arith.constant 32 : i32
    %add3A_222 = arith.addi %add3A_221, %arg1 : i32
    %lt3A_223 = arith.constant 125 : i32
    %lt3A_224 = arith.cmpi slt, %add3A_222, %lt3A_223 : i32
    %convert_element_type3A_225 = arith.extui %lt3A_224 : i1 to i32
    %cond3A_226 = arith.constant 0 : i32
    %cond3A_227 = arith.cmpi ne, %convert_element_type3A_225, %cond3A_226 : i32
    scf.if %cond3A_227 {
      %mul3A_326 = arith.constant 10000 : i32
      %mul3A_327 = arith.muli %arg0, %mul3A_326 : i32
      %mul3A_328 = arith.constant 80 : i32
      %mul3A_329 = arith.muli %add3A_222, %mul3A_328 : i32
      %add3A_330 = arith.addi %mul3A_327, %mul3A_329 : i32
      %dma_wait3A_331 = arith.constant 0 : i32
      %dma_wait3A_332 = arith.constant 0 : i32
      %dma_wait3A_333 = tpu.memref_slice %arg8[%dma_wait3A_331, %dma_wait3A_332] : memref<80x128xf32, #tpu.memory_space<vmem>> -> memref<80x128xf32, #tpu.memory_space<vmem>>
      %dma_wait3A_334 = arith.constant 0 : i32
      %dma_wait3A_335 = tpu.memref_slice %arg5[%add3A_330, %dma_wait3A_334] : memref<20000x128xf32, #tpu.memory_space<hbm>> -> memref<80x128xf32, #tpu.memory_space<hbm>>
      %dma_wait3A_336 = arith.constant 0 : i32
      %dma_wait3A_337 = tpu.memref_slice %arg5[%add3A_330, %dma_wait3A_336] : memref<20000x128xf32, #tpu.memory_space<hbm>> -> memref<80x128xf32, #tpu.memory_space<hbm>>
      %dma_wait3A_338 = arith.constant 0 : i32
      %dma_wait3A_339 = arith.constant 0 : i32
      %dma_wait3A_340 = tpu.memref_slice %arg8[%dma_wait3A_338, %dma_wait3A_339] : memref<80x128xf32, #tpu.memory_space<vmem>> -> memref<80x128xf32, #tpu.memory_space<vmem>>
      tpu.wait_dma2 semaphore(%arg13 : memref<!tpu.dma_semaphore, #tpu.memory_space<semaphore_mem>>) src(%dma_wait3A_340 : memref<80x128xf32, #tpu.memory_space<vmem>>) dst(%dma_wait3A_337 : memref<80x128xf32, #tpu.memory_space<hbm>>)
    } else {
    }
    %add3A_228 = arith.constant 64 : i32
    %add3A_229 = arith.addi %add3A_228, %arg1 : i32
    %lt3A_230 = arith.constant 125 : i32
    %lt3A_231 = arith.cmpi slt, %add3A_229, %lt3A_230 : i32
    %convert_element_type3A_232 = arith.extui %lt3A_231 : i1 to i32
    %cond3A_233 = arith.constant 0 : i32
    %cond3A_234 = arith.cmpi ne, %convert_element_type3A_232, %cond3A_233 : i32
    scf.if %cond3A_234 {
      %mul3A_326 = arith.constant 80 : i32
      %mul3A_327 = arith.muli %add3A_229, %mul3A_326 : i32
      %dma_start3A_328 = arith.constant 0 : i32
      %dma_start3A_329 = arith.constant 0 : i32
      %dma_start3A_330 = tpu.memref_slice %arg8[%dma_start3A_328, %dma_start3A_329] : memref<80x128xf32, #tpu.memory_space<vmem>> -> memref<80x128xf32, #tpu.memory_space<vmem>>
      %dma_start3A_331 = arith.constant 0 : i32
      %dma_start3A_332 = tpu.memref_slice %arg10[%mul3A_327, %dma_start3A_331] : memref<10000x128xf32, #tpu.memory_space<vmem_shared>> -> memref<80x128xf32, #tpu.memory_space<vmem_shared>>
      %dma_start3A_333 = arith.constant 0 : i32
      %dma_start3A_334 = arith.constant 0 : i32
      %dma_start3A_335 = tpu.memref_slice %arg8[%dma_start3A_333, %dma_start3A_334] : memref<80x128xf32, #tpu.memory_space<vmem>> -> memref<80x128xf32, #tpu.memory_space<vmem>>
      %dma_start3A_336 = arith.constant 0 : i32
      %dma_start3A_337 = tpu.memref_slice %arg10[%mul3A_327, %dma_start3A_336] : memref<10000x128xf32, #tpu.memory_space<vmem_shared>> -> memref<80x128xf32, #tpu.memory_space<vmem_shared>>
      tpu.enqueue_dma source(%dma_start3A_337 : memref<80x128xf32, #tpu.memory_space<vmem_shared>>) target(%dma_start3A_335 : memref<80x128xf32, #tpu.memory_space<vmem>>) target_semaphore(%arg11 : memref<!tpu.dma_semaphore, #tpu.memory_space<semaphore_mem>>)
    } else {
    }
    %add3A_235 = arith.constant 48 : i32
    %add3A_236 = arith.addi %add3A_235, %arg1 : i32
    %lt3A_237 = arith.constant 125 : i32
    %lt3A_238 = arith.cmpi slt, %add3A_236, %lt3A_237 : i32
    %convert_element_type3A_239 = arith.extui %lt3A_238 : i1 to i32
    %cond3A_240 = arith.constant 0 : i32
    %cond3A_241 = arith.cmpi ne, %convert_element_type3A_239, %cond3A_240 : i32
    scf.if %cond3A_241 {
      %mul3A_326 = arith.constant 80 : i32
      %mul3A_327 = arith.muli %add3A_236, %mul3A_326 : i32
      %dma_wait3A_328 = arith.constant 0 : i32
      %dma_wait3A_329 = arith.constant 0 : i32
      %dma_wait3A_330 = tpu.memref_slice %arg9[%dma_wait3A_328, %dma_wait3A_329] : memref<80x128xf32, #tpu.memory_space<vmem>> -> memref<80x128xf32, #tpu.memory_space<vmem>>
      %dma_wait3A_331 = arith.constant 0 : i32
      %dma_wait3A_332 = tpu.memref_slice %arg10[%mul3A_327, %dma_wait3A_331] : memref<10000x128xf32, #tpu.memory_space<vmem_shared>> -> memref<80x128xf32, #tpu.memory_space<vmem_shared>>
      %dma_wait3A_333 = arith.constant 0 : i32
      %dma_wait3A_334 = arith.constant 0 : i32
      %dma_wait3A_335 = tpu.memref_slice %arg9[%dma_wait3A_333, %dma_wait3A_334] : memref<80x128xf32, #tpu.memory_space<vmem>> -> memref<80x128xf32, #tpu.memory_space<vmem>>
      %dma_wait3A_336 = arith.constant 0 : i32
      %dma_wait3A_337 = tpu.memref_slice %arg10[%mul3A_327, %dma_wait3A_336] : memref<10000x128xf32, #tpu.memory_space<vmem_shared>> -> memref<80x128xf32, #tpu.memory_space<vmem_shared>>
      tpu.wait_dma2 semaphore(%arg12 : memref<!tpu.dma_semaphore, #tpu.memory_space<semaphore_mem>>) src(%dma_wait3A_337 : memref<80x128xf32, #tpu.memory_space<vmem_shared>>) dst(%dma_wait3A_335 : memref<80x128xf32, #tpu.memory_space<vmem>>)
      %mul3A_338 = arith.constant 10000 : i32
      %mul3A_339 = arith.muli %arg0, %mul3A_338 : i32
      %add3A_340 = arith.addi %mul3A_339, %mul3A_327 : i32
      %dma_start3A_341 = arith.constant 0 : i32
      %dma_start3A_342 = arith.constant 0 : i32
      %dma_start3A_343 = tpu.memref_slice %arg9[%dma_start3A_341, %dma_start3A_342] : memref<80x128xf32, #tpu.memory_space<vmem>> -> memref<80x128xf32, #tpu.memory_space<vmem>>
      %dma_start3A_344 = arith.constant 0 : i32
      %dma_start3A_345 = tpu.memref_slice %arg5[%add3A_340, %dma_start3A_344] : memref<20000x128xf32, #tpu.memory_space<hbm>> -> memref<80x128xf32, #tpu.memory_space<hbm>>
      %dma_start3A_346 = arith.constant 0 : i32
      %dma_start3A_347 = tpu.memref_slice %arg5[%add3A_340, %dma_start3A_346] : memref<20000x128xf32, #tpu.memory_space<hbm>> -> memref<80x128xf32, #tpu.memory_space<hbm>>
      %dma_start3A_348 = arith.constant 0 : i32
      %dma_start3A_349 = arith.constant 0 : i32
      %dma_start3A_350 = tpu.memref_slice %arg9[%dma_start3A_348, %dma_start3A_349] : memref<80x128xf32, #tpu.memory_space<vmem>> -> memref<80x128xf32, #tpu.memory_space<vmem>>
      tpu.enqueue_dma source(%dma_start3A_350 : memref<80x128xf32, #tpu.memory_space<vmem>>) target(%dma_start3A_347 : memref<80x128xf32, #tpu.memory_space<hbm>>) target_semaphore(%arg14 : memref<!tpu.dma_semaphore, #tpu.memory_space<semaphore_mem>>)
    } else {
    }
    %add3A_242 = arith.constant 48 : i32
    %add3A_243 = arith.addi %add3A_242, %arg1 : i32
    %lt3A_244 = arith.constant 125 : i32
    %lt3A_245 = arith.cmpi slt, %add3A_243, %lt3A_244 : i32
    %convert_element_type3A_246 = arith.extui %lt3A_245 : i1 to i32
    %cond3A_247 = arith.constant 0 : i32
    %cond3A_248 = arith.cmpi ne, %convert_element_type3A_246, %cond3A_247 : i32
    scf.if %cond3A_248 {
      %mul3A_326 = arith.constant 10000 : i32
      %mul3A_327 = arith.muli %arg0, %mul3A_326 : i32
      %mul3A_328 = arith.constant 80 : i32
      %mul3A_329 = arith.muli %add3A_243, %mul3A_328 : i32
      %add3A_330 = arith.addi %mul3A_327, %mul3A_329 : i32
      %dma_wait3A_331 = arith.constant 0 : i32
      %dma_wait3A_332 = arith.constant 0 : i32
      %dma_wait3A_333 = tpu.memref_slice %arg9[%dma_wait3A_331, %dma_wait3A_332] : memref<80x128xf32, #tpu.memory_space<vmem>> -> memref<80x128xf32, #tpu.memory_space<vmem>>
      %dma_wait3A_334 = arith.constant 0 : i32
      %dma_wait3A_335 = tpu.memref_slice %arg5[%add3A_330, %dma_wait3A_334] : memref<20000x128xf32, #tpu.memory_space<hbm>> -> memref<80x128xf32, #tpu.memory_space<hbm>>
      %dma_wait3A_336 = arith.constant 0 : i32
      %dma_wait3A_337 = tpu.memref_slice %arg5[%add3A_330, %dma_wait3A_336] : memref<20000x128xf32, #tpu.memory_space<hbm>> -> memref<80x128xf32, #tpu.memory_space<hbm>>
      %dma_wait3A_338 = arith.constant 0 : i32
      %dma_wait3A_339 = arith.constant 0 : i32
      %dma_wait3A_340 = tpu.memref_slice %arg9[%dma_wait3A_338, %dma_wait3A_339] : memref<80x128xf32, #tpu.memory_space<vmem>> -> memref<80x128xf32, #tpu.memory_space<vmem>>
      tpu.wait_dma2 semaphore(%arg14 : memref<!tpu.dma_semaphore, #tpu.memory_space<semaphore_mem>>) src(%dma_wait3A_340 : memref<80x128xf32, #tpu.memory_space<vmem>>) dst(%dma_wait3A_337 : memref<80x128xf32, #tpu.memory_space<hbm>>)
    } else {
    }
    %add3A_249 = arith.constant 80 : i32
    %add3A_250 = arith.addi %add3A_249, %arg1 : i32
    %lt3A_251 = arith.constant 125 : i32
    %lt3A_252 = arith.cmpi slt, %add3A_250, %lt3A_251 : i32
    %convert_element_type3A_253 = arith.extui %lt3A_252 : i1 to i32
    %cond3A_254 = arith.constant 0 : i32
    %cond3A_255 = arith.cmpi ne, %convert_element_type3A_253, %cond3A_254 : i32
    scf.if %cond3A_255 {
      %mul3A_326 = arith.constant 80 : i32
      %mul3A_327 = arith.muli %add3A_250, %mul3A_326 : i32
      %dma_start3A_328 = arith.constant 0 : i32
      %dma_start3A_329 = arith.constant 0 : i32
      %dma_start3A_330 = tpu.memref_slice %arg9[%dma_start3A_328, %dma_start3A_329] : memref<80x128xf32, #tpu.memory_space<vmem>> -> memref<80x128xf32, #tpu.memory_space<vmem>>
      %dma_start3A_331 = arith.constant 0 : i32
      %dma_start3A_332 = tpu.memref_slice %arg10[%mul3A_327, %dma_start3A_331] : memref<10000x128xf32, #tpu.memory_space<vmem_shared>> -> memref<80x128xf32, #tpu.memory_space<vmem_shared>>
      %dma_start3A_333 = arith.constant 0 : i32
      %dma_start3A_334 = arith.constant 0 : i32
      %dma_start3A_335 = tpu.memref_slice %arg9[%dma_start3A_333, %dma_start3A_334] : memref<80x128xf32, #tpu.memory_space<vmem>> -> memref<80x128xf32, #tpu.memory_space<vmem>>
      %dma_start3A_336 = arith.constant 0 : i32
      %dma_start3A_337 = tpu.memref_slice %arg10[%mul3A_327, %dma_start3A_336] : memref<10000x128xf32, #tpu.memory_space<vmem_shared>> -> memref<80x128xf32, #tpu.memory_space<vmem_shared>>
      tpu.enqueue_dma source(%dma_start3A_337 : memref<80x128xf32, #tpu.memory_space<vmem_shared>>) target(%dma_start3A_335 : memref<80x128xf32, #tpu.memory_space<vmem>>) target_semaphore(%arg12 : memref<!tpu.dma_semaphore, #tpu.memory_space<semaphore_mem>>)
    } else {
    }
    %add3A_256 = arith.constant 64 : i32
    %add3A_257 = arith.addi %add3A_256, %arg1 : i32
    %lt3A_258 = arith.constant 125 : i32
    %lt3A_259 = arith.cmpi slt, %add3A_257, %lt3A_258 : i32
    %convert_element_type3A_260 = arith.extui %lt3A_259 : i1 to i32
    %cond3A_261 = arith.constant 0 : i32
    %cond3A_262 = arith.cmpi ne, %convert_element_type3A_260, %cond3A_261 : i32
    scf.if %cond3A_262 {
      %mul3A_326 = arith.constant 80 : i32
      %mul3A_327 = arith.muli %add3A_257, %mul3A_326 : i32
      %dma_wait3A_328 = arith.constant 0 : i32
      %dma_wait3A_329 = arith.constant 0 : i32
      %dma_wait3A_330 = tpu.memref_slice %arg8[%dma_wait3A_328, %dma_wait3A_329] : memref<80x128xf32, #tpu.memory_space<vmem>> -> memref<80x128xf32, #tpu.memory_space<vmem>>
      %dma_wait3A_331 = arith.constant 0 : i32
      %dma_wait3A_332 = tpu.memref_slice %arg10[%mul3A_327, %dma_wait3A_331] : memref<10000x128xf32, #tpu.memory_space<vmem_shared>> -> memref<80x128xf32, #tpu.memory_space<vmem_shared>>
      %dma_wait3A_333 = arith.constant 0 : i32
      %dma_wait3A_334 = arith.constant 0 : i32
      %dma_wait3A_335 = tpu.memref_slice %arg8[%dma_wait3A_333, %dma_wait3A_334] : memref<80x128xf32, #tpu.memory_space<vmem>> -> memref<80x128xf32, #tpu.memory_space<vmem>>
      %dma_wait3A_336 = arith.constant 0 : i32
      %dma_wait3A_337 = tpu.memref_slice %arg10[%mul3A_327, %dma_wait3A_336] : memref<10000x128xf32, #tpu.memory_space<vmem_shared>> -> memref<80x128xf32, #tpu.memory_space<vmem_shared>>
      tpu.wait_dma2 semaphore(%arg11 : memref<!tpu.dma_semaphore, #tpu.memory_space<semaphore_mem>>) src(%dma_wait3A_337 : memref<80x128xf32, #tpu.memory_space<vmem_shared>>) dst(%dma_wait3A_335 : memref<80x128xf32, #tpu.memory_space<vmem>>)
      %mul3A_338 = arith.constant 10000 : i32
      %mul3A_339 = arith.muli %arg0, %mul3A_338 : i32
      %add3A_340 = arith.addi %mul3A_339, %mul3A_327 : i32
      %dma_start3A_341 = arith.constant 0 : i32
      %dma_start3A_342 = arith.constant 0 : i32
      %dma_start3A_343 = tpu.memref_slice %arg8[%dma_start3A_341, %dma_start3A_342] : memref<80x128xf32, #tpu.memory_space<vmem>> -> memref<80x128xf32, #tpu.memory_space<vmem>>
      %dma_start3A_344 = arith.constant 0 : i32
      %dma_start3A_345 = tpu.memref_slice %arg5[%add3A_340, %dma_start3A_344] : memref<20000x128xf32, #tpu.memory_space<hbm>> -> memref<80x128xf32, #tpu.memory_space<hbm>>
      %dma_start3A_346 = arith.constant 0 : i32
      %dma_start3A_347 = tpu.memref_slice %arg5[%add3A_340, %dma_start3A_346] : memref<20000x128xf32, #tpu.memory_space<hbm>> -> memref<80x128xf32, #tpu.memory_space<hbm>>
      %dma_start3A_348 = arith.constant 0 : i32
      %dma_start3A_349 = arith.constant 0 : i32
      %dma_start3A_350 = tpu.memref_slice %arg8[%dma_start3A_348, %dma_start3A_349] : memref<80x128xf32, #tpu.memory_space<vmem>> -> memref<80x128xf32, #tpu.memory_space<vmem>>
      tpu.enqueue_dma source(%dma_start3A_350 : memref<80x128xf32, #tpu.memory_space<vmem>>) target(%dma_start3A_347 : memref<80x128xf32, #tpu.memory_space<hbm>>) target_semaphore(%arg13 : memref<!tpu.dma_semaphore, #tpu.memory_space<semaphore_mem>>)
    } else {
    }
    %add3A_263 = arith.constant 64 : i32
    %add3A_264 = arith.addi %add3A_263, %arg1 : i32
    %lt3A_265 = arith.constant 125 : i32
    %lt3A_266 = arith.cmpi slt, %add3A_264, %lt3A_265 : i32
    %convert_element_type3A_267 = arith.extui %lt3A_266 : i1 to i32
    %cond3A_268 = arith.constant 0 : i32
    %cond3A_269 = arith.cmpi ne, %convert_element_type3A_267, %cond3A_268 : i32
    scf.if %cond3A_269 {
      %mul3A_326 = arith.constant 10000 : i32
      %mul3A_327 = arith.muli %arg0, %mul3A_326 : i32
      %mul3A_328 = arith.constant 80 : i32
      %mul3A_329 = arith.muli %add3A_264, %mul3A_328 : i32
      %add3A_330 = arith.addi %mul3A_327, %mul3A_329 : i32
      %dma_wait3A_331 = arith.constant 0 : i32
      %dma_wait3A_332 = arith.constant 0 : i32
      %dma_wait3A_333 = tpu.memref_slice %arg8[%dma_wait3A_331, %dma_wait3A_332] : memref<80x128xf32, #tpu.memory_space<vmem>> -> memref<80x128xf32, #tpu.memory_space<vmem>>
      %dma_wait3A_334 = arith.constant 0 : i32
      %dma_wait3A_335 = tpu.memref_slice %arg5[%add3A_330, %dma_wait3A_334] : memref<20000x128xf32, #tpu.memory_space<hbm>> -> memref<80x128xf32, #tpu.memory_space<hbm>>
      %dma_wait3A_336 = arith.constant 0 : i32
      %dma_wait3A_337 = tpu.memref_slice %arg5[%add3A_330, %dma_wait3A_336] : memref<20000x128xf32, #tpu.memory_space<hbm>> -> memref<80x128xf32, #tpu.memory_space<hbm>>
      %dma_wait3A_338 = arith.constant 0 : i32
      %dma_wait3A_339 = arith.constant 0 : i32
      %dma_wait3A_340 = tpu.memref_slice %arg8[%dma_wait3A_338, %dma_wait3A_339] : memref<80x128xf32, #tpu.memory_space<vmem>> -> memref<80x128xf32, #tpu.memory_space<vmem>>
      tpu.wait_dma2 semaphore(%arg13 : memref<!tpu.dma_semaphore, #tpu.memory_space<semaphore_mem>>) src(%dma_wait3A_340 : memref<80x128xf32, #tpu.memory_space<vmem>>) dst(%dma_wait3A_337 : memref<80x128xf32, #tpu.memory_space<hbm>>)
    } else {
    }
    %add3A_270 = arith.constant 96 : i32
    %add3A_271 = arith.addi %add3A_270, %arg1 : i32
    %lt3A_272 = arith.constant 125 : i32
    %lt3A_273 = arith.cmpi slt, %add3A_271, %lt3A_272 : i32
    %convert_element_type3A_274 = arith.extui %lt3A_273 : i1 to i32
    %cond3A_275 = arith.constant 0 : i32
    %cond3A_276 = arith.cmpi ne, %convert_element_type3A_274, %cond3A_275 : i32
    scf.if %cond3A_276 {
      %mul3A_326 = arith.constant 80 : i32
      %mul3A_327 = arith.muli %add3A_271, %mul3A_326 : i32
      %dma_start3A_328 = arith.constant 0 : i32
      %dma_start3A_329 = arith.constant 0 : i32
      %dma_start3A_330 = tpu.memref_slice %arg8[%dma_start3A_328, %dma_start3A_329] : memref<80x128xf32, #tpu.memory_space<vmem>> -> memref<80x128xf32, #tpu.memory_space<vmem>>
      %dma_start3A_331 = arith.constant 0 : i32
      %dma_start3A_332 = tpu.memref_slice %arg10[%mul3A_327, %dma_start3A_331] : memref<10000x128xf32, #tpu.memory_space<vmem_shared>> -> memref<80x128xf32, #tpu.memory_space<vmem_shared>>
      %dma_start3A_333 = arith.constant 0 : i32
      %dma_start3A_334 = arith.constant 0 : i32
      %dma_start3A_335 = tpu.memref_slice %arg8[%dma_start3A_333, %dma_start3A_334] : memref<80x128xf32, #tpu.memory_space<vmem>> -> memref<80x128xf32, #tpu.memory_space<vmem>>
      %dma_start3A_336 = arith.constant 0 : i32
      %dma_start3A_337 = tpu.memref_slice %arg10[%mul3A_327, %dma_start3A_336] : memref<10000x128xf32, #tpu.memory_space<vmem_shared>> -> memref<80x128xf32, #tpu.memory_space<vmem_shared>>
      tpu.enqueue_dma source(%dma_start3A_337 : memref<80x128xf32, #tpu.memory_space<vmem_shared>>) target(%dma_start3A_335 : memref<80x128xf32, #tpu.memory_space<vmem>>) target_semaphore(%arg11 : memref<!tpu.dma_semaphore, #tpu.memory_space<semaphore_mem>>)
    } else {
    }
    %add3A_277 = arith.constant 80 : i32
    %add3A_278 = arith.addi %add3A_277, %arg1 : i32
    %lt3A_279 = arith.constant 125 : i32
    %lt3A_280 = arith.cmpi slt, %add3A_278, %lt3A_279 : i32
    %convert_element_type3A_281 = arith.extui %lt3A_280 : i1 to i32
    %cond3A_282 = arith.constant 0 : i32
    %cond3A_283 = arith.cmpi ne, %convert_element_type3A_281, %cond3A_282 : i32
    scf.if %cond3A_283 {
      %mul3A_326 = arith.constant 80 : i32
      %mul3A_327 = arith.muli %add3A_278, %mul3A_326 : i32
      %dma_wait3A_328 = arith.constant 0 : i32
      %dma_wait3A_329 = arith.constant 0 : i32
      %dma_wait3A_330 = tpu.memref_slice %arg9[%dma_wait3A_328, %dma_wait3A_329] : memref<80x128xf32, #tpu.memory_space<vmem>> -> memref<80x128xf32, #tpu.memory_space<vmem>>
      %dma_wait3A_331 = arith.constant 0 : i32
      %dma_wait3A_332 = tpu.memref_slice %arg10[%mul3A_327, %dma_wait3A_331] : memref<10000x128xf32, #tpu.memory_space<vmem_shared>> -> memref<80x128xf32, #tpu.memory_space<vmem_shared>>
      %dma_wait3A_333 = arith.constant 0 : i32
      %dma_wait3A_334 = arith.constant 0 : i32
      %dma_wait3A_335 = tpu.memref_slice %arg9[%dma_wait3A_333, %dma_wait3A_334] : memref<80x128xf32, #tpu.memory_space<vmem>> -> memref<80x128xf32, #tpu.memory_space<vmem>>
      %dma_wait3A_336 = arith.constant 0 : i32
      %dma_wait3A_337 = tpu.memref_slice %arg10[%mul3A_327, %dma_wait3A_336] : memref<10000x128xf32, #tpu.memory_space<vmem_shared>> -> memref<80x128xf32, #tpu.memory_space<vmem_shared>>
      tpu.wait_dma2 semaphore(%arg12 : memref<!tpu.dma_semaphore, #tpu.memory_space<semaphore_mem>>) src(%dma_wait3A_337 : memref<80x128xf32, #tpu.memory_space<vmem_shared>>) dst(%dma_wait3A_335 : memref<80x128xf32, #tpu.memory_space<vmem>>)
      %mul3A_338 = arith.constant 10000 : i32
      %mul3A_339 = arith.muli %arg0, %mul3A_338 : i32
      %add3A_340 = arith.addi %mul3A_339, %mul3A_327 : i32
      %dma_start3A_341 = arith.constant 0 : i32
      %dma_start3A_342 = arith.constant 0 : i32
      %dma_start3A_343 = tpu.memref_slice %arg9[%dma_start3A_341, %dma_start3A_342] : memref<80x128xf32, #tpu.memory_space<vmem>> -> memref<80x128xf32, #tpu.memory_space<vmem>>
      %dma_start3A_344 = arith.constant 0 : i32
      %dma_start3A_345 = tpu.memref_slice %arg5[%add3A_340, %dma_start3A_344] : memref<20000x128xf32, #tpu.memory_space<hbm>> -> memref<80x128xf32, #tpu.memory_space<hbm>>
      %dma_start3A_346 = arith.constant 0 : i32
      %dma_start3A_347 = tpu.memref_slice %arg5[%add3A_340, %dma_start3A_346] : memref<20000x128xf32, #tpu.memory_space<hbm>> -> memref<80x128xf32, #tpu.memory_space<hbm>>
      %dma_start3A_348 = arith.constant 0 : i32
      %dma_start3A_349 = arith.constant 0 : i32
      %dma_start3A_350 = tpu.memref_slice %arg9[%dma_start3A_348, %dma_start3A_349] : memref<80x128xf32, #tpu.memory_space<vmem>> -> memref<80x128xf32, #tpu.memory_space<vmem>>
      tpu.enqueue_dma source(%dma_start3A_350 : memref<80x128xf32, #tpu.memory_space<vmem>>) target(%dma_start3A_347 : memref<80x128xf32, #tpu.memory_space<hbm>>) target_semaphore(%arg14 : memref<!tpu.dma_semaphore, #tpu.memory_space<semaphore_mem>>)
    } else {
    }
    %add3A_284 = arith.constant 80 : i32
    %add3A_285 = arith.addi %add3A_284, %arg1 : i32
    %lt3A_286 = arith.constant 125 : i32
    %lt3A_287 = arith.cmpi slt, %add3A_285, %lt3A_286 : i32
    %convert_element_type3A_288 = arith.extui %lt3A_287 : i1 to i32
    %cond3A_289 = arith.constant 0 : i32
    %cond3A_290 = arith.cmpi ne, %convert_element_type3A_288, %cond3A_289 : i32
    scf.if %cond3A_290 {
      %mul3A_326 = arith.constant 10000 : i32
      %mul3A_327 = arith.muli %arg0, %mul3A_326 : i32
      %mul3A_328 = arith.constant 80 : i32
      %mul3A_329 = arith.muli %add3A_285, %mul3A_328 : i32
      %add3A_330 = arith.addi %mul3A_327, %mul3A_329 : i32
      %dma_wait3A_331 = arith.constant 0 : i32
      %dma_wait3A_332 = arith.constant 0 : i32
      %dma_wait3A_333 = tpu.memref_slice %arg9[%dma_wait3A_331, %dma_wait3A_332] : memref<80x128xf32, #tpu.memory_space<vmem>> -> memref<80x128xf32, #tpu.memory_space<vmem>>
      %dma_wait3A_334 = arith.constant 0 : i32
      %dma_wait3A_335 = tpu.memref_slice %arg5[%add3A_330, %dma_wait3A_334] : memref<20000x128xf32, #tpu.memory_space<hbm>> -> memref<80x128xf32, #tpu.memory_space<hbm>>
      %dma_wait3A_336 = arith.constant 0 : i32
      %dma_wait3A_337 = tpu.memref_slice %arg5[%add3A_330, %dma_wait3A_336] : memref<20000x128xf32, #tpu.memory_space<hbm>> -> memref<80x128xf32, #tpu.memory_space<hbm>>
      %dma_wait3A_338 = arith.constant 0 : i32
      %dma_wait3A_339 = arith.constant 0 : i32
      %dma_wait3A_340 = tpu.memref_slice %arg9[%dma_wait3A_338, %dma_wait3A_339] : memref<80x128xf32, #tpu.memory_space<vmem>> -> memref<80x128xf32, #tpu.memory_space<vmem>>
      tpu.wait_dma2 semaphore(%arg14 : memref<!tpu.dma_semaphore, #tpu.memory_space<semaphore_mem>>) src(%dma_wait3A_340 : memref<80x128xf32, #tpu.memory_space<vmem>>) dst(%dma_wait3A_337 : memref<80x128xf32, #tpu.memory_space<hbm>>)
    } else {
    }
    %add3A_291 = arith.constant 112 : i32
    %add3A_292 = arith.addi %add3A_291, %arg1 : i32
    %lt3A_293 = arith.constant 125 : i32
    %lt3A_294 = arith.cmpi slt, %add3A_292, %lt3A_293 : i32
    %convert_element_type3A_295 = arith.extui %lt3A_294 : i1 to i32
    %cond3A_296 = arith.constant 0 : i32
    %cond3A_297 = arith.cmpi ne, %convert_element_type3A_295, %cond3A_296 : i32
    scf.if %cond3A_297 {
      %mul3A_326 = arith.constant 80 : i32
      %mul3A_327 = arith.muli %add3A_292, %mul3A_326 : i32
      %dma_start3A_328 = arith.constant 0 : i32
      %dma_start3A_329 = arith.constant 0 : i32
      %dma_start3A_330 = tpu.memref_slice %arg9[%dma_start3A_328, %dma_start3A_329] : memref<80x128xf32, #tpu.memory_space<vmem>> -> memref<80x128xf32, #tpu.memory_space<vmem>>
      %dma_start3A_331 = arith.constant 0 : i32
      %dma_start3A_332 = tpu.memref_slice %arg10[%mul3A_327, %dma_start3A_331] : memref<10000x128xf32, #tpu.memory_space<vmem_shared>> -> memref<80x128xf32, #tpu.memory_space<vmem_shared>>
      %dma_start3A_333 = arith.constant 0 : i32
      %dma_start3A_334 = arith.constant 0 : i32
      %dma_start3A_335 = tpu.memref_slice %arg9[%dma_start3A_333, %dma_start3A_334] : memref<80x128xf32, #tpu.memory_space<vmem>> -> memref<80x128xf32, #tpu.memory_space<vmem>>
      %dma_start3A_336 = arith.constant 0 : i32
      %dma_start3A_337 = tpu.memref_slice %arg10[%mul3A_327, %dma_start3A_336] : memref<10000x128xf32, #tpu.memory_space<vmem_shared>> -> memref<80x128xf32, #tpu.memory_space<vmem_shared>>
      tpu.enqueue_dma source(%dma_start3A_337 : memref<80x128xf32, #tpu.memory_space<vmem_shared>>) target(%dma_start3A_335 : memref<80x128xf32, #tpu.memory_space<vmem>>) target_semaphore(%arg12 : memref<!tpu.dma_semaphore, #tpu.memory_space<semaphore_mem>>)
    } else {
    }
    %add3A_298 = arith.constant 96 : i32
    %add3A_299 = arith.addi %add3A_298, %arg1 : i32
    %lt3A_300 = arith.constant 125 : i32
    %lt3A_301 = arith.cmpi slt, %add3A_299, %lt3A_300 : i32
    %convert_element_type3A_302 = arith.extui %lt3A_301 : i1 to i32
    %cond3A_303 = arith.constant 0 : i32
    %cond3A_304 = arith.cmpi ne, %convert_element_type3A_302, %cond3A_303 : i32
    scf.if %cond3A_304 {
      %mul3A_326 = arith.constant 80 : i32
      %mul3A_327 = arith.muli %add3A_299, %mul3A_326 : i32
      %dma_wait3A_328 = arith.constant 0 : i32
      %dma_wait3A_329 = arith.constant 0 : i32
      %dma_wait3A_330 = tpu.memref_slice %arg8[%dma_wait3A_328, %dma_wait3A_329] : memref<80x128xf32, #tpu.memory_space<vmem>> -> memref<80x128xf32, #tpu.memory_space<vmem>>
      %dma_wait3A_331 = arith.constant 0 : i32
      %dma_wait3A_332 = tpu.memref_slice %arg10[%mul3A_327, %dma_wait3A_331] : memref<10000x128xf32, #tpu.memory_space<vmem_shared>> -> memref<80x128xf32, #tpu.memory_space<vmem_shared>>
      %dma_wait3A_333 = arith.constant 0 : i32
      %dma_wait3A_334 = arith.constant 0 : i32
      %dma_wait3A_335 = tpu.memref_slice %arg8[%dma_wait3A_333, %dma_wait3A_334] : memref<80x128xf32, #tpu.memory_space<vmem>> -> memref<80x128xf32, #tpu.memory_space<vmem>>
      %dma_wait3A_336 = arith.constant 0 : i32
      %dma_wait3A_337 = tpu.memref_slice %arg10[%mul3A_327, %dma_wait3A_336] : memref<10000x128xf32, #tpu.memory_space<vmem_shared>> -> memref<80x128xf32, #tpu.memory_space<vmem_shared>>
      tpu.wait_dma2 semaphore(%arg11 : memref<!tpu.dma_semaphore, #tpu.memory_space<semaphore_mem>>) src(%dma_wait3A_337 : memref<80x128xf32, #tpu.memory_space<vmem_shared>>) dst(%dma_wait3A_335 : memref<80x128xf32, #tpu.memory_space<vmem>>)
      %mul3A_338 = arith.constant 10000 : i32
      %mul3A_339 = arith.muli %arg0, %mul3A_338 : i32
      %add3A_340 = arith.addi %mul3A_339, %mul3A_327 : i32
      %dma_start3A_341 = arith.constant 0 : i32
      %dma_start3A_342 = arith.constant 0 : i32
      %dma_start3A_343 = tpu.memref_slice %arg8[%dma_start3A_341, %dma_start3A_342] : memref<80x128xf32, #tpu.memory_space<vmem>> -> memref<80x128xf32, #tpu.memory_space<vmem>>
      %dma_start3A_344 = arith.constant 0 : i32
      %dma_start3A_345 = tpu.memref_slice %arg5[%add3A_340, %dma_start3A_344] : memref<20000x128xf32, #tpu.memory_space<hbm>> -> memref<80x128xf32, #tpu.memory_space<hbm>>
      %dma_start3A_346 = arith.constant 0 : i32
      %dma_start3A_347 = tpu.memref_slice %arg5[%add3A_340, %dma_start3A_346] : memref<20000x128xf32, #tpu.memory_space<hbm>> -> memref<80x128xf32, #tpu.memory_space<hbm>>
      %dma_start3A_348 = arith.constant 0 : i32
      %dma_start3A_349 = arith.constant 0 : i32
      %dma_start3A_350 = tpu.memref_slice %arg8[%dma_start3A_348, %dma_start3A_349] : memref<80x128xf32, #tpu.memory_space<vmem>> -> memref<80x128xf32, #tpu.memory_space<vmem>>
      tpu.enqueue_dma source(%dma_start3A_350 : memref<80x128xf32, #tpu.memory_space<vmem>>) target(%dma_start3A_347 : memref<80x128xf32, #tpu.memory_space<hbm>>) target_semaphore(%arg13 : memref<!tpu.dma_semaphore, #tpu.memory_space<semaphore_mem>>)
    } else {
    }
    %add3A_305 = arith.constant 96 : i32
    %add3A_306 = arith.addi %add3A_305, %arg1 : i32
    %lt3A_307 = arith.constant 125 : i32
    %lt3A_308 = arith.cmpi slt, %add3A_306, %lt3A_307 : i32
    %convert_element_type3A_309 = arith.extui %lt3A_308 : i1 to i32
    %cond3A_310 = arith.constant 0 : i32
    %cond3A_311 = arith.cmpi ne, %convert_element_type3A_309, %cond3A_310 : i32
    scf.if %cond3A_311 {
      %mul3A_326 = arith.constant 10000 : i32
      %mul3A_327 = arith.muli %arg0, %mul3A_326 : i32
      %mul3A_328 = arith.constant 80 : i32
      %mul3A_329 = arith.muli %add3A_306, %mul3A_328 : i32
      %add3A_330 = arith.addi %mul3A_327, %mul3A_329 : i32
      %dma_wait3A_331 = arith.constant 0 : i32
      %dma_wait3A_332 = arith.constant 0 : i32
      %dma_wait3A_333 = tpu.memref_slice %arg8[%dma_wait3A_331, %dma_wait3A_332] : memref<80x128xf32, #tpu.memory_space<vmem>> -> memref<80x128xf32, #tpu.memory_space<vmem>>
      %dma_wait3A_334 = arith.constant 0 : i32
      %dma_wait3A_335 = tpu.memref_slice %arg5[%add3A_330, %dma_wait3A_334] : memref<20000x128xf32, #tpu.memory_space<hbm>> -> memref<80x128xf32, #tpu.memory_space<hbm>>
      %dma_wait3A_336 = arith.constant 0 : i32
      %dma_wait3A_337 = tpu.memref_slice %arg5[%add3A_330, %dma_wait3A_336] : memref<20000x128xf32, #tpu.memory_space<hbm>> -> memref<80x128xf32, #tpu.memory_space<hbm>>
      %dma_wait3A_338 = arith.constant 0 : i32
      %dma_wait3A_339 = arith.constant 0 : i32
      %dma_wait3A_340 = tpu.memref_slice %arg8[%dma_wait3A_338, %dma_wait3A_339] : memref<80x128xf32, #tpu.memory_space<vmem>> -> memref<80x128xf32, #tpu.memory_space<vmem>>
      tpu.wait_dma2 semaphore(%arg13 : memref<!tpu.dma_semaphore, #tpu.memory_space<semaphore_mem>>) src(%dma_wait3A_340 : memref<80x128xf32, #tpu.memory_space<vmem>>) dst(%dma_wait3A_337 : memref<80x128xf32, #tpu.memory_space<hbm>>)
    } else {
    }
    %add3A_312 = arith.constant 112 : i32
    %add3A_313 = arith.addi %add3A_312, %arg1 : i32
    %lt3A_314 = arith.constant 125 : i32
    %lt3A_315 = arith.cmpi slt, %add3A_313, %lt3A_314 : i32
    %convert_element_type3A_316 = arith.extui %lt3A_315 : i1 to i32
    %cond3A_317 = arith.constant 0 : i32
    %cond3A_318 = arith.cmpi ne, %convert_element_type3A_316, %cond3A_317 : i32
    scf.if %cond3A_318 {
      %mul3A_326 = arith.constant 80 : i32
      %mul3A_327 = arith.muli %add3A_313, %mul3A_326 : i32
      %dma_wait3A_328 = arith.constant 0 : i32
      %dma_wait3A_329 = arith.constant 0 : i32
      %dma_wait3A_330 = tpu.memref_slice %arg9[%dma_wait3A_328, %dma_wait3A_329] : memref<80x128xf32, #tpu.memory_space<vmem>> -> memref<80x128xf32, #tpu.memory_space<vmem>>
      %dma_wait3A_331 = arith.constant 0 : i32
      %dma_wait3A_332 = tpu.memref_slice %arg10[%mul3A_327, %dma_wait3A_331] : memref<10000x128xf32, #tpu.memory_space<vmem_shared>> -> memref<80x128xf32, #tpu.memory_space<vmem_shared>>
      %dma_wait3A_333 = arith.constant 0 : i32
      %dma_wait3A_334 = arith.constant 0 : i32
      %dma_wait3A_335 = tpu.memref_slice %arg9[%dma_wait3A_333, %dma_wait3A_334] : memref<80x128xf32, #tpu.memory_space<vmem>> -> memref<80x128xf32, #tpu.memory_space<vmem>>
      %dma_wait3A_336 = arith.constant 0 : i32
      %dma_wait3A_337 = tpu.memref_slice %arg10[%mul3A_327, %dma_wait3A_336] : memref<10000x128xf32, #tpu.memory_space<vmem_shared>> -> memref<80x128xf32, #tpu.memory_space<vmem_shared>>
      tpu.wait_dma2 semaphore(%arg12 : memref<!tpu.dma_semaphore, #tpu.memory_space<semaphore_mem>>) src(%dma_wait3A_337 : memref<80x128xf32, #tpu.memory_space<vmem_shared>>) dst(%dma_wait3A_335 : memref<80x128xf32, #tpu.memory_space<vmem>>)
      %mul3A_338 = arith.constant 10000 : i32
      %mul3A_339 = arith.muli %arg0, %mul3A_338 : i32
      %add3A_340 = arith.addi %mul3A_339, %mul3A_327 : i32
      %dma_start3A_341 = arith.constant 0 : i32
      %dma_start3A_342 = arith.constant 0 : i32
      %dma_start3A_343 = tpu.memref_slice %arg9[%dma_start3A_341, %dma_start3A_342] : memref<80x128xf32, #tpu.memory_space<vmem>> -> memref<80x128xf32, #tpu.memory_space<vmem>>
      %dma_start3A_344 = arith.constant 0 : i32
      %dma_start3A_345 = tpu.memref_slice %arg5[%add3A_340, %dma_start3A_344] : memref<20000x128xf32, #tpu.memory_space<hbm>> -> memref<80x128xf32, #tpu.memory_space<hbm>>
      %dma_start3A_346 = arith.constant 0 : i32
      %dma_start3A_347 = tpu.memref_slice %arg5[%add3A_340, %dma_start3A_346] : memref<20000x128xf32, #tpu.memory_space<hbm>> -> memref<80x128xf32, #tpu.memory_space<hbm>>
      %dma_start3A_348 = arith.constant 0 : i32
      %dma_start3A_349 = arith.constant 0 : i32
      %dma_start3A_350 = tpu.memref_slice %arg9[%dma_start3A_348, %dma_start3A_349] : memref<80x128xf32, #tpu.memory_space<vmem>> -> memref<80x128xf32, #tpu.memory_space<vmem>>
      tpu.enqueue_dma source(%dma_start3A_350 : memref<80x128xf32, #tpu.memory_space<vmem>>) target(%dma_start3A_347 : memref<80x128xf32, #tpu.memory_space<hbm>>) target_semaphore(%arg14 : memref<!tpu.dma_semaphore, #tpu.memory_space<semaphore_mem>>)
    } else {
    }
    %add3A_319 = arith.constant 112 : i32
    %add3A_320 = arith.addi %add3A_319, %arg1 : i32
    %lt3A_321 = arith.constant 125 : i32
    %lt3A_322 = arith.cmpi slt, %add3A_320, %lt3A_321 : i32
    %convert_element_type3A_323 = arith.extui %lt3A_322 : i1 to i32
    %cond3A_324 = arith.constant 0 : i32
    %cond3A_325 = arith.cmpi ne, %convert_element_type3A_323, %cond3A_324 : i32
    scf.if %cond3A_325 {
      %mul3A_326 = arith.constant 10000 : i32
      %mul3A_327 = arith.muli %arg0, %mul3A_326 : i32
      %mul3A_328 = arith.constant 80 : i32
      %mul3A_329 = arith.muli %add3A_320, %mul3A_328 : i32
      %add3A_330 = arith.addi %mul3A_327, %mul3A_329 : i32
      %dma_wait3A_331 = arith.constant 0 : i32
      %dma_wait3A_332 = arith.constant 0 : i32
      %dma_wait3A_333 = tpu.memref_slice %arg9[%dma_wait3A_331, %dma_wait3A_332] : memref<80x128xf32, #tpu.memory_space<vmem>> -> memref<80x128xf32, #tpu.memory_space<vmem>>
      %dma_wait3A_334 = arith.constant 0 : i32
      %dma_wait3A_335 = tpu.memref_slice %arg5[%add3A_330, %dma_wait3A_334] : memref<20000x128xf32, #tpu.memory_space<hbm>> -> memref<80x128xf32, #tpu.memory_space<hbm>>
      %dma_wait3A_336 = arith.constant 0 : i32
      %dma_wait3A_337 = tpu.memref_slice %arg5[%add3A_330, %dma_wait3A_336] : memref<20000x128xf32, #tpu.memory_space<hbm>> -> memref<80x128xf32, #tpu.memory_space<hbm>>
      %dma_wait3A_338 = arith.constant 0 : i32
      %dma_wait3A_339 = arith.constant 0 : i32
      %dma_wait3A_340 = tpu.memref_slice %arg9[%dma_wait3A_338, %dma_wait3A_339] : memref<80x128xf32, #tpu.memory_space<vmem>> -> memref<80x128xf32, #tpu.memory_space<vmem>>
      tpu.wait_dma2 semaphore(%arg14 : memref<!tpu.dma_semaphore, #tpu.memory_space<semaphore_mem>>) src(%dma_wait3A_340 : memref<80x128xf32, #tpu.memory_space<vmem>>) dst(%dma_wait3A_337 : memref<80x128xf32, #tpu.memory_space<hbm>>)
    } else {
    }
    return
  }
}

module attributes {stable_mosaic.version = 14 : i64} {
  func.func @_prescale_body(%arg0: i32, %arg1: memref<2000x128xf32, #tpu.memory_space<vmem>>, %arg2: memref<2000x1xf32, #tpu.memory_space<vmem>>, %arg3: memref<2000x128xf32, #tpu.memory_space<vmem>>) attributes {dimension_semantics = [#tpu.dimension_semantics<arbitrary>], iteration_bounds = array<i64: 5>, scalar_prefetch = 0 : i64, scratch_operands = 0 : i64, tpu.core_type = #tpu.core_type<tc>, window_params = [{transform_indices = @transform_0, window_bounds = array<i64: 2000, 128>}, {transform_indices = @transform_1, window_bounds = array<i64: 2000, 1>}, {transform_indices = @transform_2, window_bounds = array<i64: 2000, 128>}]} {
    %get3A = arith.constant 0 : index
    %get3A_0 = arith.constant 0 : index
    %get3A_1 = vector.load %arg1[%get3A, %get3A_0] : memref<2000x128xf32, #tpu.memory_space<vmem>>, vector<2000x128xf32>
    %get3A_2 = arith.constant 0 : index
    %get3A_3 = arith.constant 0 : index
    %get3A_4 = vector.load %arg2[%get3A_2, %get3A_3] : memref<2000x1xf32, #tpu.memory_space<vmem>>, vector<2000x1xf32>
    %div3A = vector.broadcast %get3A_4 : vector<2000x1xf32> to vector<2000x128xf32>
    %div3A_5 = arith.divf %get3A_1, %div3A : vector<2000x128xf32>
    %swap3A = arith.constant 0 : index
    %swap3A_6 = arith.constant 0 : index
    %swap3A_7 = vector.load %arg3[%swap3A, %swap3A_6] : memref<2000x128xf32, #tpu.memory_space<vmem>>, vector<2000x128xf32>
    tpu.vector_store %arg3[%swap3A, %swap3A_6], %div3A_5 {strides = array<i32>} : memref<2000x128xf32, #tpu.memory_space<vmem>>, vector<2000x128xf32>,
    return
  }
  func.func @transform_0(%arg0: i32) -> (i32, i32) {
    %c0_i32 = arith.constant 0 : i32
    %c0_i32_0 = arith.constant 0 : i32
    return %arg0, %c0_i32 : i32, i32
  }
  func.func @transform_1(%arg0: i32) -> (i32, i32) {
    %c0_i32 = arith.constant 0 : i32
    %c0_i32_0 = arith.constant 0 : i32
    return %arg0, %c0_i32 : i32, i32
  }
  func.func @transform_2(%arg0: i32) -> (i32, i32) {
    %c0_i32 = arith.constant 0 : i32
    %c0_i32_0 = arith.constant 0 : i32
    return %arg0, %c0_i32 : i32, i32
  }
}

module attributes {stable_mosaic.version = 14 : i64} {
  func.func @_final_body(%arg0: i32, %arg1: memref<2000x128xf32, #tpu.memory_space<vmem>>, %arg2: memref<2000x128xf32, #tpu.memory_space<vmem>>, %arg3: memref<2000x1xf32, #tpu.memory_space<vmem>>, %arg4: memref<128x128xf32, #tpu.memory_space<vmem>>, %arg5: memref<1x128xf32, #tpu.memory_space<vmem>>, %arg6: memref<2000x128xf32, #tpu.memory_space<vmem>>) attributes {dimension_semantics = [#tpu.dimension_semantics<arbitrary>], iteration_bounds = array<i64: 5>, scalar_prefetch = 0 : i64, scratch_operands = 0 : i64, tpu.core_type = #tpu.core_type<tc>, window_params = [{transform_indices = @transform_0, window_bounds = array<i64: 2000, 128>}, {transform_indices = @transform_1, window_bounds = array<i64: 2000, 128>}, {transform_indices = @transform_2, window_bounds = array<i64: 2000, 1>}, {pipeline_mode = #tpu.pipeline_mode<synchronous>, transform_indices = @transform_3, window_bounds = array<i64: 128, 128>}, {pipeline_mode = #tpu.pipeline_mode<synchronous>, transform_indices = @transform_4, window_bounds = array<i64: 1, 128>}, {transform_indices = @transform_5, window_bounds = array<i64: 2000, 128>}]} {
    %get3A = arith.constant 0 : index
    %get3A_0 = arith.constant 0 : index
    %get3A_1 = vector.load %arg1[%get3A, %get3A_0] : memref<2000x128xf32, #tpu.memory_space<vmem>>, vector<2000x128xf32>
    %get3A_2 = arith.constant 0 : index
    %get3A_3 = arith.constant 0 : index
    %get3A_4 = vector.load %arg2[%get3A_2, %get3A_3] : memref<2000x128xf32, #tpu.memory_space<vmem>>, vector<2000x128xf32>
    %add3A = arith.addf %get3A_1, %get3A_4 : vector<2000x128xf32>
    %get3A_5 = arith.constant 0 : index
    %get3A_6 = arith.constant 0 : index
    %get3A_7 = vector.load %arg3[%get3A_5, %get3A_6] : memref<2000x1xf32, #tpu.memory_space<vmem>>, vector<2000x1xf32>
    %div3A = vector.broadcast %get3A_7 : vector<2000x1xf32> to vector<2000x128xf32>
    %div3A_8 = arith.divf %add3A, %div3A : vector<2000x128xf32>
    %get3A_9 = arith.constant 0 : index
    %get3A_10 = arith.constant 0 : index
    %get3A_11 = vector.load %arg4[%get3A_9, %get3A_10] : memref<128x128xf32, #tpu.memory_space<vmem>>, vector<128x128xf32>
    %dot_general3A = arith.constant dense<0.000000e+00> : vector<2000x128xf32>
    %dot_general3A_12 = tpu.matmul %div3A_8, %get3A_11, %dot_general3A {dimension_numbers = #tpu.dot_dimension_numbers<[1], [0], [0], [1], [0, 0, 1, 1], [], []>, transpose_lhs_hint = false} : vector<2000x128xf32>, vector<128x128xf32>, vector<2000x128xf32> -> vector<2000x128xf32>
    %get3A_13 = arith.constant 0 : index
    %get3A_14 = arith.constant 0 : index
    %get3A_15 = vector.load %arg5[%get3A_13, %get3A_14] : memref<1x128xf32, #tpu.memory_space<vmem>>, vector<1x128xf32>
    %add3A_16 = vector.broadcast %get3A_15 : vector<1x128xf32> to vector<2000x128xf32>
    %add3A_17 = arith.addf %dot_general3A_12, %add3A_16 : vector<2000x128xf32>
    %swap3A = arith.constant 0 : index
    %swap3A_18 = arith.constant 0 : index
    %swap3A_19 = vector.load %arg6[%swap3A, %swap3A_18] : memref<2000x128xf32, #tpu.memory_space<vmem>>, vector<2000x128xf32>
    tpu.vector_store %arg6[%swap3A, %swap3A_18], %add3A_17 {strides = array<i32>} : memref<2000x128xf32, #tpu.memory_space<vmem>>, vector<2000x128xf32>,
    return
  }
  func.func @transform_0(%arg0: i32) -> (i32, i32) {
    %c0_i32 = arith.constant 0 : i32
    %c0_i32_0 = arith.constant 0 : i32
    return %arg0, %c0_i32 : i32, i32
  }
  func.func @transform_1(%arg0: i32) -> (i32, i32) {
    %add3A = arith.constant 5 : i32
    %add3A_0 = arith.addi %add3A, %arg0 : i32
    %c0_i32 = arith.constant 0 : i32
    %c0_i32_1 = arith.constant 0 : i32
    return %add3A_0, %c0_i32 : i32, i32
  }
  func.func @transform_2(%arg0: i32) -> (i32, i32) {
    %c0_i32 = arith.constant 0 : i32
    %c0_i32_0 = arith.constant 0 : i32
    return %arg0, %c0_i32 : i32, i32
  }
  func.func @transform_3(%arg0: i32) -> (i32, i32) {
    %c0_i32 = arith.constant 0 : i32
    %c0_i32_0 = arith.constant 0 : i32
    %c0_i32_1 = arith.constant 0 : i32
    return %c0_i32, %c0_i32_0 : i32, i32
  }
  func.func @transform_4(%arg0: i32) -> (i32, i32) {
    %c0_i32 = arith.constant 0 : i32
    %c0_i32_0 = arith.constant 0 : i32
    %c0_i32_1 = arith.constant 0 : i32
    return %c0_i32, %c0_i32_0 : i32, i32
  }
  func.func @transform_5(%arg0: i32) -> (i32, i32) {
    %c0_i32 = arith.constant 0 : i32
    %c0_i32_0 = arith.constant 0 : i32
    return %arg0, %c0_i32 : i32, i32
  }
}

</mosaic_0001>

<sc_bundles>
// kernel: kernel.5.cloned.1.call-start
scs
__scs_entry_jumppad:
0x0: {  	(pc) =	sbr.rel $0x88, $3  }
0x1: {  	(tag) =	ssettag $0x0;
	lr =	simm.s32 $0x1  }
0x2: {  	[smem:$0x3F9B] =	sst lr;
	_ =	strace $0xD0000000  }
0x3: {  	_ = 	snop  }
0x4: {  	_ = 	snop  }
0x5: {  	_ = 	snop  }
0x6: {  	_ = 	snop  }
0x7: {  	_ = 	snop  }
__scs_overlays_trampoline_lowered:
0x8: {  	[smem:$0x3FAA] =	sst s0  }
0x9: {  	[smem:$0x3FAB] =	sst s1  }
0xa: {  	[smem:$0x3FAC] =	sst s2  }
0xb: {  	[smem:$0x3FAD] =	sst s3  }
0xc: {  	[smem:$0x3FAE] =	sst s4  }
0xd: {  	[smem:$0x3FAF] =	sst s5  }
0xe: {  	[smem:$0x3FB0] =	sst s6  }
0xf: {  	[smem:$0x3FB1] =	sst s7  }
0x10: {  	[smem:$0x3FB2] =	sst s8  }
0x11: {  	[smem:$0x3FB3] =	sst s9;
	s0 =	simm.s32 @!p0 $0x0  }
0x12: {  	s1 =	sld [smem:$0x3F99];
	s0 =	simm.s32 @p0 $0x1  }
0x13: {  	[smem:$0x3FB4] =	sst s0;
	s0 =	simm.s32 @!p1 $0x0  }
0x14: {  	s2 =	sld [smem:$0x3F98];
	s0 =	simm.s32 @p1 $0x1  }
0x15: {  	[smem:$0x3FB5] =	sst s0;
	s0 =	simm.s32 @!p2 $0x0  }
0x16: {  	s3 =	sld [smem:$0x3FDB];
	s0 =	simm.s32 @p2 $0x1  }
0x17: {  	s4 =	simm.s32 $0x1BF5;
	[smem:$0x3FB7] =	sst s0  }
0x18: {  	s0 =	sld [smem:$0x3F9A];
	_ =	swait.ge [sflag:s4], $0x0  }
0x19: {  	s7 =	sld [smem:$0x3F9B]  }
0x1a: {  	s8 =	sadd.s32 $0xFFFFE003, lr  }
0x1b: {  	s9 =	sadd.s32 $0xFFFFFEF7, lr;
	s5 =	simm.s32 $0xFFFFFFFF;
	p2 =	slt.u32 s8, $0xFFFFF086  }
0x1c: {  	p1 =	slt.u32 s9, $0xF7A;
	s5 =	simm.s32 @!p2 $0x0  }
0x1d: {  	s5 =	simm.s32 @p1 $0x1;
	p0 =	seq.s32 s7, s2  }
0x1e: {  	s7 =	smul.u32 @!p0 $0xF7A, s2;
	p2 =	seq.s32 @!p0 s5, $0x0  }
0x1f: {  	s9 =	smul.u32 $0xF7A, s1;
	s8 =	simm.s32 @!p0 $0x1BF5;
	p2 =	por !p2, p0  }
0x20: {  	[sflag:s8] =	ssyncset.s32 @!p0 $0xFFFFF086;
	s6 =	sadd.s32 @!p0 s3, s7;
	s7 =	simm.s32 @!p0 $0x108  }
0x21: {  	s3 =	sadd.s32 s3, s9;
	s6 =	sadd.s32 @!p0 $0x88, s6;
	s7 =	simm.s32 @p2 $0x1082  }
0x22: {  	[simem:s7], [sflag:s8] =	dma.local @!p0 [hbm:s6], $0xF7A  }
0x23: {  	s9 =	sor.u32 $0xD0000000, s2;
	s6 =	simm.s32 $0x108;
	_ =	swait.ge @!p0 [sflag:s8], $0x0  }
0x24: {  	s3 =	sadd.s32 $0x88, s3;
	s6 =	simm.s32 @!p1 $0x1082;
	[sflag:s4] =	ssyncset.s32 $0xFFFFF086  }
0x25: {  	[simem:s6], [sflag:s4] =	dma.local [hbm:s3], $0xF7A  }
0x26: {  	[smem:$0x3F9B] =	sst s1;
	(tag) =	ssettag s2;
	_ =	strace s9  }
0x27: {  	s1 =	sld [smem:$0x3FAB]  }
0x28: {  	s2 =	sld [smem:$0x3FAC]  }
0x29: {  	s4 =	sld [smem:$0x3FAE]  }
0x2a: {  	p0 =	seq.s32 s5, $0x0;
	s5 =	sld [smem:$0x3FAF]  }
0x2b: {  	s6 =	sld [smem:$0x3FB0]  }
0x2c: {  	s7 =	sld [smem:$0x3FB1]  }
0x2d: {  	s3 =	simm.s32 $0x108;
	s8 =	sld [smem:$0x3FB2]  }
0x2e: {  	s3 =	simm.s32 @!p0 $0x1082;
	s9 =	sld [smem:$0x3FB3]  }
0x2f: {  	lr =	sadd.s32 s0, s3;
	s0 =	sld [smem:$0x3FAA]  }
0x30: {  	s3 =	sld [smem:$0x3FAD]  }
0x31: {  	[smem:$0x3FB6] =	sst s10  }
0x32: {  	s10 =	sld [smem:$0x3FB4];
	_ =	sdelay $0x3  }
0x33: {  	p0 =	seq.s32 s10, $0x1;
	s10 =	sld [smem:$0x3FB6];
	_ =	sdelay $0x3  }
0x34: {  	[smem:$0x3FB6] =	sst s10  }
0x35: {  	s10 =	sld [smem:$0x3FB5];
	_ =	sdelay $0x3  }
0x36: {  	p1 =	seq.s32 s10, $0x1;
	s10 =	sld [smem:$0x3FB6];
	_ =	sdelay $0x3  }
0x37: {  	[smem:$0x3FB6] =	sst s10  }
0x38: {  	s10 =	sld [smem:$0x3FB7]  }
0x39: {  	_ = 	snop;
	(pc) =	sbr.ind lr, $3  }
0x3a: {  	_ = 	snop  }
0x3b: {  	_ = 	snop  }
0x3c: {  	p2 =	seq.s32 s10, $0x1;
	s10 =	sld [smem:$0x3FB6]  }
0x3d: {  	_ =	shalt  }
0x3e: {  	_ =	shalt  }
0x3f: {  	_ =	shalt  }
0x40: {  	_ =	shalt  }
0x41: {  	_ =	shalt  }
0x42: {  	_ =	shalt  }
0x43: {  	_ =	shalt  }
0x44: {  	_ =	shalt  }
0x45: {  	_ =	shalt  }
0x46: {  	_ =	shalt  }
0x47: {  	_ =	shalt  }
0x48: {  	_ =	shalt  }
0x49: {  	_ =	shalt  }
0x4a: {  	_ =	shalt  }
0x4b: {  	_ =	shalt  }
0x4c: {  	_ =	shalt  }
0x4d: {  	_ =	shalt  }
0x4e: {  	_ =	shalt  }
0x4f: {  	_ =	shalt  }
0x50: {  	_ =	shalt  }
0x51: {  	_ =	shalt  }
0x52: {  	_ =	shalt  }
0x53: {  	_ =	shalt  }
0x54: {  	_ =	shalt  }
0x55: {  	_ =	shalt  }
0x56: {  	_ =	shalt  }
0x57: {  	_ =	shalt  }
0x58: {  	_ =	shalt  }
0x59: {  	_ =	shalt  }
0x5a: {  	_ =	shalt  }
0x5b: {  	_ =	shalt  }
0x5c: {  	_ =	shalt  }
0x5d: {  	_ =	shalt  }
0x5e: {  	_ =	shalt  }
0x5f: {  	_ =	shalt  }
0x60: {  	_ =	shalt  }
0x61: {  	_ =	shalt  }
0x62: {  	_ =	shalt  }
0x63: {  	_ =	shalt  }
0x64: {  	_ =	shalt  }
0x65: {  	_ =	shalt  }
0x66: {  	_ =	shalt  }
0x67: {  	_ =	shalt  }
0x68: {  	_ =	shalt  }
0x69: {  	_ =	shalt  }
0x6a: {  	_ =	shalt  }
0x6b: {  	_ =	shalt  }
0x6c: {  	_ =	shalt  }
0x6d: {  	_ =	shalt  }
0x6e: {  	_ =	shalt  }
0x6f: {  	_ =	shalt  }
0x70: {  	_ =	shalt  }
0x71: {  	_ =	shalt  }
0x72: {  	_ =	shalt  }
0x73: {  	_ =	shalt  }
0x74: {  	_ =	shalt  }
0x75: {  	_ =	shalt  }
0x76: {  	_ =	shalt  }
0x77: {  	_ =	shalt  }
0x78: {  	_ =	shalt  }
0x79: {  	_ =	shalt  }
0x7a: {  	_ =	shalt  }
0x7b: {  	_ =	shalt  }
0x7c: {  	_ =	shalt  }
0x7d: {  	_ =	shalt  }
0x7e: {  	_ =	shalt  }
0x7f: {  	_ =	shalt  }
0x80: {  	_ =	shalt  }
0x81: {  	_ =	shalt  }
0x82: {  	_ =	shalt  }
0x83: {  	_ =	shalt  }
0x84: {  	_ =	shalt  }
0x85: {  	_ =	shalt  }
0x86: {  	_ =	shalt  }
0x87: {  	_ =	shalt  }
.Lfunc_end0:
.L_simem_size_0:
called_computation_lowered:
.L_overlay_start_0:
0x88: {  	s2 =	sld [smem:$0x3FD9]  }
0x89: {  	s3 =	sld [smem:$0x3FFE];
	_ =	sdelay $0x1  }
0x8a: {  	s1 =	srdreg.scid  }
0x8b: {  	s0 =	sand.u32 $0x1, s1  }
0x8c: {  	s17 =	sshll.u32 s0, $0xA;
	s2 =	sadd.s32 s3, s2  }
0x8d: {  	s2 =	sadd.s32 s2, s17  }
0x8e: {  	[smem:$0x3FC2] =	sst s2  }
0x8f: {  	_ = 	snop  }
0x90: {  	s2 =	sld [smem:$0x3FD0];
	(tm) =	ssettm $0x1  }
0x91: {  	s18 =	sld [smem:$0x3FFB];
	_ =	sdelay $0x3  }
0x92: {  	_ =	strace s18  }
0x93: {  	s3 =	sld [smem:$0x3FFC];
	_ =	sdelay $0x3  }
0x94: {  	_ =	strace s3  }
0x95: {  	s3 =	sld [smem:$0x3FFD];
	_ =	sdelay $0x3  }
0x96: {  	_ =	strace s3  }
0x97: {  	_ =	strace $0x8FFFFFFF  }
0x98: {  	s19 =	sld [smem:$0x3FDB];
	_ =	sdelay $0x1  }
0x99: {  	s4 =	simm.s32 $_scs_section_size  }
0x9a: {  	s5 =	simm.s32 $_size__tile_overlayer_lowered;
	s6 =	simm.s32 $_tile_overlayer_lowered  }
0x9b: {  	s22 =	simm.s32 $0x1BFF;
	s21 =	sshll.u32 s6, $0x1;
	s3 =	sadd.s32 s4, s19  }
0x9c: {  	s7 =	simm.s32 $0x0;
	s20 =	sshll.u32 s5, $0x1;
	s5 =	sadd.s32 s21, s3  }
0x9d: {  	[timem:s7], [sflag:s22] =	dma.local [hbm:s5], s20  }
0x9e: {  	_ =	swait.ge [sflag:s22], s20  }
0x9f: {  	s4 =	ssub.s32 $0x0, s20;
	[sflag:s22] =	ssyncset.done $0x0  }
0xa0: {  	[sflag:s22] =	ssyncadd.s32 s4;
	_ =	sdelay $0x1  }
0xa1: {  	s23 =	simm.s32 $0x1B8B  }
0xa2: {  	_ =	swait.ge [sflag:s23], $0x1  }
0xa3: {  	[sflag:s23] =	ssyncset.done $0x0  }
0xa4: {  	s25 =	simm.s32 $0x1B8E;
	s24 =	sld [smem:$0x3FFE];
	[sflag:s23] =	ssyncadd.s32 $0xFFFFFFFF  }
0xa5: {  	s26 =	simm.s32 $execute0_lowered;
	[smem:$0x3FD2] =	sst s25  }
0xa6: {  	s5 =	sshll.u32 s26, $0x1;
	_ =	strace $0x80000046;
	[dreg:$0x1] =	wrdreg $0xFFFFFFFF  }
0xa7: {  	s28 =	simm.s32 $_size_execute0_lowered;
	s3 =	sadd.s32 s3, s5;
	[dreg:$0x0] =	wrdreg $0x0  }
0xa8: {  	s5 =	sshll.u32 s28, $0x1;
	[dreg:$0x2] =	wrdreg s3  }
0xa9: {  	[dreg:$0x3] =	wrdreg s5  }
0xaa: {  	[dreg:$0x4] =	wrdreg $0xC0  }
0xab: {  	_ =	task [dreg:s7], $0x5FFFF  }
0xac: {  	[dreg:$0x1] =	wrdreg $0xFFFFFFFF  }
0xad: {  	[dreg:$0x0] =	wrdreg $0x60  }
0xae: {  	[dreg:$0x2] =	wrdreg s2  }
0xaf: {  	[dreg:$0x3] =	wrdreg s24  }
0xb0: {  	[dreg:$0x4] =	wrdreg $0xB7800  }
0xb1: {  	[dreg:$0x5] =	wrdreg $0x9  }
0xb2: {  	_ =	task.clear_ibuf [dreg:s7], $0x6FFFF;
	_ =	strace $0x90000046  }
0xb3: {  	s29 =	simm.s32 $0x9;
	_ =	strace $0x80000048  }
0xb4: {  	_ =	swait.ge [sflag:s29], $0x1  }
0xb5: {  	[sflag:s29] =	ssyncadd.s32 $0xFFFFFFFF  }
0xb6: {  	_ =	strace $0x90000048  }
0xb7: {  	_ =	sfence  }
0xb8: {  	s30 =	sld [smem:$0x0];
	_ =	sdelay $0x2  }
0xb9: {  	s31 =	sshll.u32 s1, $0xD;
	s1 =	sshrl.u32 s1, $0x2  }
0xba: {  	s3 =	sand.u32 $0x4000, s31;
	s1 =	sadd.s32 s1, s30  }
0xbb: {  	s0 =	sor.u32 s3, s0;
	s1 =	sshll.u32 s1, $0x11  }
0xbc: {  	s0 =	sor.u32 s1, s0  }
0xbd: {  	s0 =	sadd.s32 $0x8F2B, s0  }
0xbe: {  	[sflag:s0] =	ssyncadd.remote.s32 $0x1  }
0xbf: {  	_ =	sfence.sel $0xFFFF  }
0xc0: {  	[dreg:$0x0] =	wrdreg $0xFFFFFFFF;
	(pc) =	sbr.abs _section_cstart, $3  }
0xc1: {  	[dreg:$0x1] =	wrdreg $0xFFFFFFFF  }
0xc2: {  	_ =	task.clear_ibuf [dreg:s7], $0x2FFFF;
	_ =	strace $0x9FFFFFFF  }
0xc3: {  	(tm) =	ssettm $0x7FFFFFFF  }
tec
execute0_lowered:
.L_overlay_start_1:
0x0: {  	(tag) =	ssettag $0x1  }
0x1: {  	s0 =	srdreg.scid;
	s1 =	rddreg [dreg:$0x0]  }
0x2: {  	s24 =	stileid.u32;
	s2 =	rddreg [dreg:$0x1]  }
0x3: {  	s3 =	rddreg [dreg:$0x2];
	s22 =	smul.u32 $0xA000, s24;
	s14 =	sor.u32 $0x10, s24  }
0x4: {  	s28 =	simm.s32 $0x3;
	s15 =	sor.u32 $0x20, s24;
	s25 =	smul.u32 $0xA000, s14  }
0x5: {  	s29 =	simm.s32 $0x50;
	s16 =	sor.u32 $0x30, s24;
	s26 =	smul.u32 $0xA000, s15  }
0x6: {  	s30 =	simm.s32 $0x6780;
	s17 =	sor.u32 $0x40, s24;
	s10 =	smul.u32 $0xA000, s16  }
0x7: {  	s31 =	simm.s32 $0x8F80;
	s18 =	sor.u32 $0x50, s24;
	s11 =	smul.u32 $0xA000, s17  }
0x8: {  	s5 =	sand.u32 $0x1, s0;
	s19 =	sor.u32 $0x60, s24;
	s12 =	smul.u32 $0xA000, s18  }
0x9: {  	s7 =	sshll.u32 s24, $0x7;
	s20 =	sor.u32 $0x70, s24;
	s13 =	smul.u32 $0xA000, s19  }
0xa: {  	s0 =	sshll.u32 s5, $0x4;
	s21 =	ssub.s32 $0x2, s5;
	s5 =	smul.u32 $0x2710, s5  }
0xb: {  	p0 =	sgt.u32 s24, $0xC;
	s7 =	sand.u32 $0x380, s7;
	s15 =	smul.u32 $0x50, s15  }
0xc: {  	s17 =	smul.u32 $0x50, s17;
	s0 =	sor.u32 s24, s0;
	s8 =	sshrl.u32 s21, $0x1  }
0xd: {  	s4 =	sshrl.u32 s0, $0x3;
	s0 =	sshll.u32 s0, $0xB;
	s11 =	sshrl.u32 s11, $0x2  }
0xe: {  	s12 =	sshrl.u32 s12, $0x2;
	s13 =	sshrl.u32 s13, $0x2;
	s15 =	sadd.s32 s5, s15  }
0xf: {  	s17 =	sadd.s32 s5, s17;
	s6 =	smul.u32 $0x13C00, s4;
	s4 =	simm.s32 $0x0  }
0x10: {  	s9 =	sadd.s32 s0, s2;
	s0 =	sadd.s32 $0x1AE00, s2;
	s11 =	sadd.s32 s11, s3  }
0x11: {  	s12 =	sadd.s32 s12, s3;
	s13 =	sadd.s32 s13, s3;
	s15 =	sshll.u32 s15, $0x4  }
0x12: {  	[smem:$0x7FF] =	sst s4;
	s23 =	sadd.s32 $0x1000, s9;
	s9 =	sshrl.u32 s26, $0x2  }
0x13: {  	s26 =	smul.u32 $0x50, s14;
	s6 =	sor.u32 s7, s6;
	_ =	strace $0x80000047  }
0x14: {  	[dreg:$0x5] =	wrdreg s23;
	s9 =	sadd.s32 s9, s3;
	s6 =	sshrl.u32 s6, $0x3  }
0x15: {  	s6 =	sadd.s32 s6, s2;
	s2 =	ssub.s32 s21, s8;
	s21 =	smul.u32 $0xA000, s20  }
0x16: {  	s8 =	sshrl.u32 s25, $0x2;
	s20 =	smul.u32 $0x50, s20;
	s6 =	sadd.s32 $0x11000, s6  }
0x17: {  	s8 =	sadd.s32 s8, s3;
	[dreg:$0x4] =	wrdreg s6;
	s6 =	sshrl.u32 s22, $0x2  }
0x18: {  	s22 =	smul.u32 $0x50, s24;
	s23 =	sshrl.u32 s21, $0x2;
	s24 =	simm.s32 $0x1  }
0x19: {  	s7 =	sadd.s32 s6, s3;
	s6 =	sshrl.u32 s10, $0x2;
	s14 =	sadd.s32 s23, s3  }
0x1a: {  	s10 =	sadd.s32 s6, s3;
	s25 =	sadd.s32 s22, s5;
	s22 =	smul.u32 $0x50, s19  }
0x1b: {  	s23 =	sshll.u32 s25, $0x4;
	s25 =	sadd.s32 s5, s26;
	s26 =	smul.u32 $0x50, s16  }
0x1c: {  	s16 =	smul.u32 $0x50, s18;
	s6 =	sadd.s32 s0, s23;
	s23 =	sshll.u32 s17, $0x4  }
0x1d: {  	[dreg:$0x6] =	wrdreg s6;
	s6 =	sshll.u32 s25, $0x4;
	s21 =	sadd.s32 s5, s26  }
0x1e: {  	s19 =	sadd.s32 s0, s23;
	s25 =	sadd.s32 s5, s16;
	s26 =	sadd.s32 s5, s22  }
0x1f: {  	s5 =	sadd.s32 s5, s20;
	s23 =	smax.u32 s2, $0x1;
	s2 =	simm.s32 $0x2  }
0x20: {  	s6 =	sadd.s32 s0, s6;
	s18 =	sshll.u32 s21, $0x4;
	s5 =	sshll.u32 s5, $0x4  }
0x21: {  	[dreg:$0x7] =	wrdreg s6;
	s6 =	sadd.s32 s0, s15;
	s18 =	sadd.s32 s0, s18  }
0x22: {  	s15 =	sshll.u32 s26, $0x4;
	s22 =	sadd.s32 s0, s5;
	s26 =	simm.s32 $0x0  }
0x23: {  	[dreg:$0x8] =	wrdreg s6;
	s6 =	sshll.u32 s25, $0x4;
	s21 =	sadd.s32 s0, s15  }
0x24: {  	v0 =	vimm.f32 $0.0e+00;
	s25 =	simm.s32 $0x5;
	s20 =	sadd.s32 s0, s6;
	s0 =	simm.s32 $0x4  }
.LBB2_1:
0x25: {  	s5 =	rddreg [dreg:$0x4];
	s6 =	simm.s32 $0x80;
	s15 =	simm.s32 $0x400  }
0x26: {  	[tilespmem:s4], [sflag:$0x3] =	stream.strided.gather [hbm4b:s5+s6], $0x2780, s15, s6, $0x38;
	[tilespmem:$0x1F000] =	vst v63  }
0x27: {  	s16 =	rddreg [dreg:$0x5];
	s17 =	simm.s32 $0x2780;
	s15 =	sand.u32 $0xFE00, s4  }
0x28: {  	[tilespmem:s17], [sflag:$0x4] =	stream.linear.gather [hbm4b:s16+s4], $0x3E80, $0x38;
	[tilespmem:$0x1F000] =	vst v63  }
0x29: {  	s16 =	sand.u32 $0x70, s4;
	s17 =	sshrl.u32 s15, $0x2  }
0x2a: {  	s5 =	simm.s32 $0x40;
	s6 =	simm.s32 $0x0;
	s15 =	sor.u32 s16, s17  }
.LBB2_2:
0x2b: {  	p1 =	sne.s32 s5, $0x9FC0  }
0x2c: {  	[tilespmem:s15+$0x8F80] =	vst v0;
	s6 =	sadd.s32 $0x10, s6;
	s15 =	smov.u32 s5;
	s5 =	sadd.s32 $0x40, s5  }
.Ltmp0:
0x2d: {  	(pc) =	sbr.rel @p1 .LBB2_2-.Ltmp0, $4  }
0x2e: {  	_ = 	snop  }
0x2f: {  	s15 =	sand.u32 $0xFE00, s15  }
0x30: {  	s16 =	sand.u32 $0x70, s6;
	s15 =	sshrl.u32 s15, $0x2  }
0x31: {  	s15 =	sor.u32 s16, s15  }
0x32: {  	[tilespmem:s15+$0x8F80] =	vst v0  }
0x33: {  	_ =	swait.ge [sflag:s28], $0x2780  }
0x34: {  	[sflag:s28] =	ssyncset.done $0x0  }
0x35: {  	[sflag:s28] =	ssyncadd.s32 $0xFFFFD880  }
0x36: {  	[tilespmem:s30], [sflag:$0x1] =	stream.indirect.gather [hbm4b:s1+s29], $0x80, s4, s29, $0xb8;
	[tilespmem:$0x1F000] =	vst v63  }
0x37: {  	_ = 	snop  }
0x38: {  	[spmem:s7] =	stream.linear.scatter [tilespmem:s31], [sflag:$0x2], $0x2800, $0x38;
	[tilespmem:$0x1F000] =	vst v63  }
0x39: {  	_ = 	snop  }
0x3a: {  	[spmem:s8] =	stream.linear.scatter [tilespmem:s31], [sflag:$0x2], $0x2800, $0x38;
	[tilespmem:$0x1F000] =	vst v63  }
0x3b: {  	_ = 	snop  }
0x3c: {  	[spmem:s9] =	stream.linear.scatter [tilespmem:s31], [sflag:$0x2], $0x2800, $0x38;
	[tilespmem:$0x1F000] =	vst v63  }
0x3d: {  	_ = 	snop  }
0x3e: {  	[spmem:s10] =	stream.linear.scatter [tilespmem:s31], [sflag:$0x2], $0x2800, $0x38;
	[tilespmem:$0x1F000] =	vst v63  }
0x3f: {  	_ = 	snop  }
0x40: {  	[spmem:s11] =	stream.linear.scatter [tilespmem:s31], [sflag:$0x2], $0x2800, $0x38;
	[tilespmem:$0x1F000] =	vst v63  }
0x41: {  	_ = 	snop  }
0x42: {  	[spmem:s12] =	stream.linear.scatter [tilespmem:s31], [sflag:$0x2], $0x2800, $0x38;
	[tilespmem:$0x1F000] =	vst v63  }
0x43: {  	_ = 	snop  }
0x44: {  	[spmem:s13] =	stream.linear.scatter [tilespmem:s31], [sflag:$0x2], $0x2800, $0x38;
	[tilespmem:$0x1F000] =	vst v63  }
0x45: {  	s5 =	simm.s32 @!p0 $0x8F80  }
0x46: {  	[spmem:s14] =	stream.linear.scatter @!p0 [tilespmem:s5], [sflag:$0x2], $0x2800, $0x38;
	[tilespmem:$0x1F000] =	vst v63  }
0x47: {  	_ =	swait.ge [sflag:s2], $0x2800  }
0x48: {  	[sflag:s2] =	ssyncset.done $0x0  }
0x49: {  	[sflag:s2] =	ssyncadd.s32 $0xFFFFD800  }
0x4a: {  	_ =	swait.ge [sflag:s2], $0x2800  }
0x4b: {  	[sflag:s2] =	ssyncset.done $0x0  }
0x4c: {  	[sflag:s2] =	ssyncadd.s32 $0xFFFFD800  }
0x4d: {  	_ =	swait.ge [sflag:s2], $0x2800  }
0x4e: {  	[sflag:s2] =	ssyncset.done $0x0  }
0x4f: {  	[sflag:s2] =	ssyncadd.s32 $0xFFFFD800  }
0x50: {  	_ =	swait.ge [sflag:s2], $0x2800  }
0x51: {  	[sflag:s2] =	ssyncset.done $0x0  }
0x52: {  	[sflag:s2] =	ssyncadd.s32 $0xFFFFD800  }
0x53: {  	_ =	swait.ge [sflag:s2], $0x2800  }
0x54: {  	[sflag:s2] =	ssyncset.done $0x0  }
0x55: {  	[sflag:s2] =	ssyncadd.s32 $0xFFFFD800  }
0x56: {  	_ =	swait.ge [sflag:s2], $0x2800  }
0x57: {  	[sflag:s2] =	ssyncset.done $0x0  }
0x58: {  	[sflag:s2] =	ssyncadd.s32 $0xFFFFD800  }
0x59: {  	_ =	swait.ge [sflag:s2], $0x2800  }
0x5a: {  	[sflag:s2] =	ssyncset.done $0x0  }
0x5b: {  	s5 =	simm.s32 @!p0 $0x2;
	[sflag:s2] =	ssyncadd.s32 $0xFFFFD800  }
0x5c: {  	_ =	swait.ge @!p0 [sflag:s5], $0x2800  }
0x5d: {  	[sflag:s5] =	ssyncset.done @!p0 $0x0  }
0x5e: {  	[sflag:s5] =	ssyncadd.s32 @!p0 $0xFFFFD800  }
0x5f: {  	_ =	swait.ge [sflag:s0], $0x3E80  }
0x60: {  	[sflag:s0] =	ssyncset.done $0x0  }
0x61: {  	[sflag:s0] =	ssyncadd.s32 $0xFFFFC180  }
0x62: {  	s6 =	simm.s32 $0x50;
	[bflag:$0x0] =	sbarrier.arrive $0xFFFF  }
0x63: {  	[tilespmem:s31], [sflag:$0x2] =	stream.indirect.gather [hbm4b:s1+s29], $0x80, s6, s29, $0xb8;
	[tilespmem:$0x1F000] =	vst v63  }
0x64: {  	_ =	swait.ge [sflag:s24], $0x2800  }
0x65: {  	[sflag:s24] =	ssyncset.done $0x0  }
0x66: {  	s15 =	simm.s32 $0x2780;
	[sflag:s24] =	ssyncadd.s32 $0xFFFFD800  }
0x67: {  	[spmem:s3] =	stream.indirect.scatter.add.f32 [tilespmem:s30], [sflag:$0x5], $0x80, s15, s29, $0xb8;
	[tilespmem:$0x1F000] =	vst v63  }
0x68: {  	_ =	swait.ge [sflag:s25], $0x2800  }
0x69: {  	[sflag:s25] =	ssyncset.done $0x0  }
0x6a: {  	s16 =	simm.s32 $0xA0;
	[sflag:s25] =	ssyncadd.s32 $0xFFFFD800  }
0x6b: {  	[tilespmem:s30], [sflag:$0x1] =	stream.indirect.gather [hbm4b:s1+s29], $0x80, s16, s29, $0xb8;
	[tilespmem:$0x1F000] =	vst v63  }
0x6c: {  	_ =	swait.ge [sflag:s2], $0x2800  }
0x6d: {  	[sflag:s2] =	ssyncset.done $0x0  }
0x6e: {  	s17 =	simm.s32 $0x2800;
	[sflag:s2] =	ssyncadd.s32 $0xFFFFD800  }
0x6f: {  	[spmem:s3] =	stream.indirect.scatter.add.f32 [tilespmem:s31], [sflag:$0x5], $0x80, s17, s29, $0xb8;
	[tilespmem:$0x1F000] =	vst v63  }
0x70: {  	s5 =	simm.s32 $0x140;
	_ =	swait.ge [sflag:s25], $0x2800  }
0x71: {  	s6 =	simm.s32 $0x400;
	s15 =	simm.s32 $0x800;
	[sflag:s25] =	ssyncset.done $0x0  }
.LBB2_4:
0x72: {  	p1 =	sne.s32 s15, $0xF400;
	s16 =	sadd.s32 $0xFFFFFFB0, s5;
	[sflag:s25] =	ssyncadd.s32 $0xFFFFD800  }
0x73: {  	[tilespmem:s31], [sflag:$0x2] =	stream.indirect.gather [hbm4b:s1+s29], $0x80, s16, s29, $0xb8;
	[tilespmem:$0x1F000] =	vst v63  }
0x74: {  	s16 =	smov.u32 s15;
	s15 =	sadd.s32 $0x400, s15;
	_ =	swait.ge [sflag:s24], $0x2800  }
0x75: {  	s17 =	sshra.s32 s6, $0x2;
	s6 =	smov.u32 s16;
	[sflag:s24] =	ssyncset.done $0x0  }
0x76: {  	s16 =	sadd.s32 $0x2780, s17;
	[sflag:s24] =	ssyncadd.s32 $0xFFFFD800  }
0x77: {  	[spmem:s3] =	stream.indirect.scatter.add.f32 [tilespmem:s30], [sflag:$0x5], $0x80, s16, s29, $0xb8;
	[tilespmem:$0x1F000] =	vst v63  }
0x78: {  	_ =	swait.ge [sflag:s25], $0x2800  }
0x79: {  	[sflag:s25] =	ssyncset.done $0x0  }
0x7a: {  	[sflag:s25] =	ssyncadd.s32 $0xFFFFD800  }
0x7b: {  	[tilespmem:s30], [sflag:$0x1] =	stream.indirect.gather [hbm4b:s1+s29], $0x80, s5, s29, $0xb8;
	[tilespmem:$0x1F000] =	vst v63  }
0x7c: {  	_ =	swait.ge [sflag:s2], $0x2800  }
.Ltmp1:
0x7d: {  	[sflag:s2] =	ssyncset.done $0x0;
	(pc) =	sbr.rel @p1 .LBB2_4-.Ltmp1, $4  }
0x7e: {  	s16 =	sadd.s32 $0x2800, s17;
	[sflag:s2] =	ssyncadd.s32 $0xFFFFD800  }
0x7f: {  	[spmem:s3] =	stream.indirect.scatter.add.f32 [tilespmem:s31], [sflag:$0x5], $0x80, s16, s29, $0xb8;
	[tilespmem:$0x1F000] =	vst v63  }
0x80: {  	_ =	swait.ge [sflag:s25], $0x2800  }
0x81: {  	s5 =	sadd.s32 $0xA0, s5;
	[sflag:s25] =	ssyncset.done $0x0  }
0x82: {  	s15 =	sadd.s32 $0xFFFFFFB0, s5;
	[sflag:s25] =	ssyncadd.s32 $0xFFFFD800  }
0x83: {  	[tilespmem:s31], [sflag:$0x2] =	stream.indirect.gather [hbm4b:s1+s29], $0x80, s15, s29, $0xb8;
	[tilespmem:$0x1F000] =	vst v63  }
0x84: {  	_ =	swait.ge [sflag:s24], $0x2800  }
0x85: {  	s6 =	sshra.s32 s6, $0x2;
	[sflag:s24] =	ssyncset.done $0x0  }
0x86: {  	s16 =	sadd.s32 $0x2780, s6;
	[sflag:s24] =	ssyncadd.s32 $0xFFFFD800  }
0x87: {  	[spmem:s3] =	stream.indirect.scatter.add.f32 [tilespmem:s30], [sflag:$0x5], $0x80, s16, s29, $0xb8;
	[tilespmem:$0x1F000] =	vst v63  }
0x88: {  	_ =	swait.ge [sflag:s25], $0x2800  }
0x89: {  	[sflag:s25] =	ssyncset.done $0x0  }
0x8a: {  	[sflag:s25] =	ssyncadd.s32 $0xFFFFD800  }
0x8b: {  	[tilespmem:s30], [sflag:$0x1] =	stream.indirect.gather [hbm4b:s1+s29], $0x80, s5, s29, $0xb8;
	[tilespmem:$0x1F000] =	vst v63  }
0x8c: {  	_ =	swait.ge [sflag:s2], $0x2800  }
0x8d: {  	[sflag:s2] =	ssyncset.done $0x0  }
0x8e: {  	s17 =	sadd.s32 $0x2800, s6;
	[sflag:s2] =	ssyncadd.s32 $0xFFFFD800  }
0x8f: {  	[spmem:s3] =	stream.indirect.scatter.add.f32 [tilespmem:s31], [sflag:$0x5], $0x80, s17, s29, $0xb8;
	[tilespmem:$0x1F000] =	vst v63  }
0x90: {  	_ =	swait.ge [sflag:s25], $0x2800  }
0x91: {  	[sflag:s25] =	ssyncset.done $0x0  }
0x92: {  	[sflag:s25] =	ssyncadd.s32 $0xFFFFD800  }
0x93: {  	_ =	swait.ge [sflag:s24], $0x2800  }
0x94: {  	[sflag:s24] =	ssyncset.done $0x0  }
0x95: {  	s6 =	simm.s32 $0x6580;
	[sflag:s24] =	ssyncadd.s32 $0xFFFFD800  }
0x96: {  	[spmem:s3] =	stream.indirect.scatter.add.f32 [tilespmem:s30], [sflag:$0x5], $0x80, s6, s29, $0xb8;
	[tilespmem:$0x1F000] =	vst v63  }
0x97: {  	_ =	swait.ge [sflag:s25], $0x2800  }
0x98: {  	[sflag:s25] =	ssyncset.done $0x0  }
0x99: {  	[sflag:s25] =	ssyncadd.s32 $0xFFFFD800  }
0x9a: {  	[bflag:$0x0] =	sbarrier.arrive $0xFFFF  }
0x9b: {  	[tilespmem:s30], [sflag:$0x1] =	stream.linear.gather [spmem:s7], $0x2800, $0x38;
	[tilespmem:$0x1F000] =	vst v63  }
0x9c: {  	_ = 	snop  }
0x9d: {  	[tilespmem:s31], [sflag:$0x2] =	stream.linear.gather [spmem:s8], $0x2800, $0x38;
	[tilespmem:$0x1F000] =	vst v63  }
0x9e: {  	_ =	swait.ge [sflag:s24], $0x2800  }
0x9f: {  	[sflag:s24] =	ssyncset.done $0x0  }
0xa0: {  	s15 =	rddreg [dreg:$0x6];
	[sflag:s24] =	ssyncadd.s32 $0xFFFFD800  }
0xa1: {  	[hbm4b:s15+s4] =	stream.linear.scatter [tilespmem:s30], [sflag:$0x3], $0x2800, $0x38;
	[tilespmem:$0x1F000] =	vst v63  }
0xa2: {  	_ =	swait.ge [sflag:s28], $0x2800  }
0xa3: {  	[sflag:s28] =	ssyncset.done $0x0  }
0xa4: {  	[sflag:s28] =	ssyncadd.s32 $0xFFFFD800  }
0xa5: {  	[tilespmem:s30], [sflag:$0x1] =	stream.linear.gather [spmem:s9], $0x2800, $0x38;
	[tilespmem:$0x1F000] =	vst v63  }
0xa6: {  	_ =	swait.ge [sflag:s2], $0x2800  }
0xa7: {  	[sflag:s2] =	ssyncset.done $0x0  }
0xa8: {  	s16 =	rddreg [dreg:$0x7];
	[sflag:s2] =	ssyncadd.s32 $0xFFFFD800  }
0xa9: {  	[hbm4b:s16+s4] =	stream.linear.scatter [tilespmem:s31], [sflag:$0x4], $0x2800, $0x38;
	[tilespmem:$0x1F000] =	vst v63  }
0xaa: {  	_ =	swait.ge [sflag:s0], $0x2800  }
0xab: {  	[sflag:s0] =	ssyncset.done $0x0  }
0xac: {  	[sflag:s0] =	ssyncadd.s32 $0xFFFFD800  }
0xad: {  	[tilespmem:s31], [sflag:$0x2] =	stream.linear.gather [spmem:s10], $0x2800, $0x38;
	[tilespmem:$0x1F000] =	vst v63  }
0xae: {  	_ =	swait.ge [sflag:s24], $0x2800  }
0xaf: {  	[sflag:s24] =	ssyncset.done $0x0  }
0xb0: {  	s17 =	rddreg [dreg:$0x8];
	[sflag:s24] =	ssyncadd.s32 $0xFFFFD800  }
0xb1: {  	[hbm4b:s17+s4] =	stream.linear.scatter [tilespmem:s30], [sflag:$0x3], $0x2800, $0x38;
	[tilespmem:$0x1F000] =	vst v63  }
0xb2: {  	_ =	swait.ge [sflag:s28], $0x2800  }
0xb3: {  	[sflag:s28] =	ssyncset.done $0x0  }
0xb4: {  	[sflag:s28] =	ssyncadd.s32 $0xFFFFD800  }
0xb5: {  	[tilespmem:s30], [sflag:$0x1] =	stream.linear.gather [spmem:s11], $0x2800, $0x38;
	[tilespmem:$0x1F000] =	vst v63  }
0xb6: {  	_ =	swait.ge [sflag:s2], $0x2800  }
0xb7: {  	[sflag:s2] =	ssyncset.done $0x0  }
0xb8: {  	[sflag:s2] =	ssyncadd.s32 $0xFFFFD800  }
0xb9: {  	[hbm4b:s18+s4] =	stream.linear.scatter [tilespmem:s31], [sflag:$0x4], $0x2800, $0x38;
	[tilespmem:$0x1F000] =	vst v63  }
0xba: {  	_ =	swait.ge [sflag:s0], $0x2800  }
0xbb: {  	[sflag:s0] =	ssyncset.done $0x0  }
0xbc: {  	[sflag:s0] =	ssyncadd.s32 $0xFFFFD800  }
0xbd: {  	[tilespmem:s31], [sflag:$0x2] =	stream.linear.gather [spmem:s12], $0x2800, $0x38;
	[tilespmem:$0x1F000] =	vst v63  }
0xbe: {  	_ =	swait.ge [sflag:s24], $0x2800  }
0xbf: {  	[sflag:s24] =	ssyncset.done $0x0  }
0xc0: {  	[sflag:s24] =	ssyncadd.s32 $0xFFFFD800  }
0xc1: {  	[hbm4b:s19+s4] =	stream.linear.scatter [tilespmem:s30], [sflag:$0x3], $0x2800, $0x38;
	[tilespmem:$0x1F000] =	vst v63  }
0xc2: {  	_ =	swait.ge [sflag:s28], $0x2800  }
0xc3: {  	[sflag:s28] =	ssyncset.done $0x0  }
0xc4: {  	[sflag:s28] =	ssyncadd.s32 $0xFFFFD800  }
0xc5: {  	[tilespmem:s30], [sflag:$0x1] =	stream.linear.gather [spmem:s13], $0x2800, $0x38;
	[tilespmem:$0x1F000] =	vst v63  }
0xc6: {  	_ =	swait.ge [sflag:s2], $0x2800  }
0xc7: {  	[sflag:s2] =	ssyncset.done $0x0  }
0xc8: {  	[sflag:s2] =	ssyncadd.s32 $0xFFFFD800  }
0xc9: {  	[hbm4b:s20+s4] =	stream.linear.scatter [tilespmem:s31], [sflag:$0x4], $0x2800, $0x38;
	[tilespmem:$0x1F000] =	vst v63  }
0xca: {  	_ =	swait.ge [sflag:s0], $0x2800  }
0xcb: {  	[sflag:s0] =	ssyncset.done $0x0  }
0xcc: {  	s5 =	simm.s32 @p0 $0x1;
	[sflag:s0] =	ssyncadd.s32 $0xFFFFD800  }
0xcd: {  	_ =	swait.ge @p0 [sflag:s5], $0x2800  }
0xce: {  	[sflag:s5] =	ssyncset.done @p0 $0x0  }
0xcf: {  	s6 =	simm.s32 @p0 $0x6780;
	[sflag:s5] =	ssyncadd.s32 @p0 $0xFFFFD800;
	s5 =	simm.s32 @p0 $0x0  }
0xd0: {  	[hbm4b:s21+s5] =	stream.linear.scatter @p0 [tilespmem:s6], [sflag:$0x3], $0x2800, $0x38;
	[tilespmem:$0x1F000] =	vst v63  }
0xd1: {  	s5 =	simm.s32 @!p0 $0x8F80;
	s6 =	simm.s32 @!p0 $0x1  }
0xd2: {  	[tilespmem:s5], [sflag:$0x2] =	stream.linear.gather @!p0 [spmem:s14], $0x2800, $0x38;
	[tilespmem:$0x1F000] =	vst v63  }
0xd3: {  	_ =	swait.ge @!p0 [sflag:s6], $0x2800  }
0xd4: {  	[sflag:s6] =	ssyncset.done @!p0 $0x0  }
0xd5: {  	s15 =	simm.s32 @!p0 $0x6780;
	[sflag:s6] =	ssyncadd.s32 @!p0 $0xFFFFD800;
	s6 =	simm.s32 @!p0 $0x0  }
0xd6: {  	[hbm4b:s21+s6] =	stream.linear.scatter @!p0 [tilespmem:s15], [sflag:$0x3], $0x2800, $0x38;
	[tilespmem:$0x1F000] =	vst v63  }
0xd7: {  	s15 =	simm.s32 @!p0 $0x3  }
0xd8: {  	_ =	swait.ge @!p0 [sflag:s15], $0x2800  }
0xd9: {  	[sflag:s15] =	ssyncset.done @!p0 $0x0  }
0xda: {  	[sflag:s15] =	ssyncadd.s32 @!p0 $0xFFFFD800;
	s15 =	simm.s32 @!p0 $0x2  }
0xdb: {  	_ =	swait.ge @!p0 [sflag:s15], $0x2800  }
0xdc: {  	s26 =	sadd.s32 $0x1, s26;
	[sflag:s15] =	ssyncset.done @!p0 $0x0  }
0xdd: {  	p1 =	sne.s32 s26, s23;
	[sflag:s15] =	ssyncadd.s32 @!p0 $0xFFFFD800  }
0xde: {  	[hbm4b:s22+s6] =	stream.linear.scatter @!p0 [tilespmem:s5], [sflag:$0x4], $0x2800, $0x38;
	[tilespmem:$0x1F000] =	vst v63  }
.Ltmp2:
0xdf: {  	s5 =	simm.s32 @!p0 $0x4;
	(pc) =	sbr.rel @p1 .LBB2_1-.Ltmp2, $4  }
0xe0: {  	s5 =	simm.s32 @p0 $0x3  }
0xe1: {  	_ =	swait.ge [sflag:s5], $0x2800  }
0xe2: {  	[sflag:s5] =	ssyncset.done $0x0  }
0xe3: {  	[sflag:s5] =	ssyncadd.s32 $0xFFFFD800  }
0xe4: {  	_ =	sfence.sel $0x180000  }
0xe5: {  	[bflag:$0x0] =	sbarrier.arrive $0xFFFF  }
0xe6: {  	_ =	strace $0x90000047  }
0xe7: {  	s0 =	stileid.u32;
	[bflag:$0x2] =	sbarrier.arrive $0xFFFF  }
0xe8: {  	p0 =	sne.s32 s0, $0x0;
	s0 =	rddreg [dreg:$0x3]  }
0xe9: {  	s0 =	sadd.s32 @!p0 $0x100000, s0  }
0xea: {  	[sflag:s0] =	ssyncadd.tile.s32 @!p0 $0x1;
	_ =	shalt  }
.Lfunc_end2:
_tile_overlayer_lowered:
.L_overlay_start_2:
0xeb: {  	(tag) =	ssettag $0x2  }
0xec: {  	s0 =	rddreg [dreg:$0x0];
	s2 =	stileid.u32  }
0xed: {  	s1 =	rddreg [dreg:$0x1];
	p0 =	sne.s32 s2, $0x0  }
0xee: {  	s3 =	rddreg [dreg:$0x2];
	[bflag:$0x3] =	sbarrier.arrive $0xFFFF;
	s2 =	simm.s32 @!p0 $0x1C05  }
0xef: {  	[timem:s3], [sflag:s2] =	dma.local @!p0 [hbm:s0], s1  }
0xf0: {  	s0 =	simm.s32 @!p0 $0x5  }
0xf1: {  	_ =	swait.ge @!p0 [sflag:s0], s1  }
0xf2: {  	s1 =	ssub.s32 @!p0 $0x0, s1;
	[sflag:s0] =	ssyncset.done @!p0 $0x0  }
0xf3: {  	[sflag:s0] =	ssyncadd.s32 @!p0 s1  }
0xf4: {  	[bflag:$0x3] =	sbarrier.arrive $0xFFFF  }
0xf5: {  	_ =	shalt  }

</sc_bundles>
